<compile_context>
chip_gen: v7x
topology: tpu7x:2x2x1
jax: 0.10.2.dev20260603
libtpu: 0.0.44.dev20260713+nightly
codegen_flags: <defaults>
</compile_context>

<pallas_src>
import functools

import jax
import jax.numpy as jnp
from jax import lax
from jax.experimental import pallas as pl
from jax.experimental.pallas import tpu as pltpu
from jax.experimental.pallas import tpu_sc as plsc

EMBED_DIM = 64
_info = plsc.get_sparse_core_info()
_NC, _NS = _info.num_cores, _info.num_subcores
_NW = _NC * _NS

_CHUNK = 128
_NBUF = 8


def _make_gather(B: int, V: int):
  b_per_w = B // _NW
  n_chunks = b_per_w // _CHUNK
  n_groups = n_chunks // _NBUF
  mesh = plsc.VectorSubcoreMesh(core_axis_name="c", subcore_axis_name="s")

  @functools.partial(
      pl.kernel,
      mesh=mesh,
      out_type=jax.ShapeDtypeStruct((B, EMBED_DIM), jnp.float32),
      scratch_types=[
          pltpu.VMEM((b_per_w,), jnp.int32),
          [pltpu.VMEM((_CHUNK, EMBED_DIM), jnp.float32) for _ in range(_NBUF)],
          [pltpu.SemaphoreType.DMA for _ in range(_NBUF)],
          [pltpu.SemaphoreType.DMA for _ in range(_NBUF)],
      ],
      compiler_params=pltpu.CompilerParams(use_tc_tiling_on_sc=False),
  )
  def gather_kernel(idx_hbm, table_hbm, out_hbm, idx_v, rows, sg, sw):
    wid = lax.axis_index("s") * _NC + lax.axis_index("c")
    base = wid * b_per_w

    pltpu.sync_copy(idx_hbm.at[pl.ds(base, b_per_w)], idx_v)

    def gather(c, b):
      return pltpu.make_async_copy(
          table_hbm.at[idx_v.at[pl.ds(c * _CHUNK, _CHUNK)]], rows[b], sg[b])

    def write(c, b):
      return pltpu.make_async_copy(
          rows[b], out_hbm.at[pl.ds(base + c * _CHUNK, _CHUNK)], sw[b])

    for b in range(_NBUF):
      gather(b, b).start()

    def group(j, refill):
      for b in range(_NBUF):
        c = j * _NBUF + b
        gather(c, b).wait()
        write(c, b).start()
        write(c, b).wait()
        if refill:
          gather(c + _NBUF, b).start()

    lax.fori_loop(0, n_groups - 1, lambda j, c: (group(j, True), c)[1], 0)
    group(n_groups - 1, False)

  return gather_kernel


def kernel(input, emb):
  B0, B1 = input.shape
  V, D = emb.shape
  assert D == EMBED_DIM
  flat_idx = input.reshape(B0 * B1).astype(jnp.int32)
  out = _make_gather(B0 * B1, V)(flat_idx, emb)
  return out.reshape(B0, B1, D)

# --- scband reference (transcript-rebuilt; emitter-appended) ---
"""Pipeline reference for scband-embedding-39333310496847 (READ-ONLY COPY).

The authoritative reference and input builder live on the scoring server;
editing this copy changes nothing except your own understanding.
"""

import jax, jax.numpy as jnp
import numpy as np

VOCAB = 1000000
EMBED_DIM = 64

def setup_inputs(seed: int = 0) -> dict:
    key = jax.random.key(seed)
    k1, k2 = jax.random.split(key)
    inp = jax.random.randint(k1, (16384, 50), 0, VOCAB, dtype=jnp.int64 if jax.config.jax_enable_x64 else jnp.int32)
    emb = jax.random.normal(k2, (VOCAB, EMBED_DIM), dtype=jnp.float32) * 0.02
    return {"input": inp, "emb": emb}

def reference(input, emb):
    # F.embedding(input, emb) with all_gather=False (single-device path)
    out = jnp.take(emb, input, axis=0)
    return out

if __name__ == "__main__":
    import jax
    _d = setup_inputs()
    print(jax.jit(kernel)(*tuple(_d.values())))

</pallas_src>

<mosaic_0001>
#map = affine_map<(d0, d1) -> (0)>
#map1 = affine_map<(d0, d1) -> (0, 0)>
module attributes {stable_mosaic.version = 14 : i64} {
  func.func @gather_kernel(%arg0: i32, %arg1: i32, %arg2: memref<819200xi32, #tpu.memory_space<hbm>>, %arg3: memref<1000000x64xf32, #tpu.memory_space<hbm>>, %arg4: memref<819200x64xf32, #tpu.memory_space<hbm>>, %arg5: memref<25600xi32, #tpu.memory_space<vmem>>, %arg6: memref<128x64xf32, #tpu.memory_space<vmem>>, %arg7: memref<128x64xf32, #tpu.memory_space<vmem>>, %arg8: memref<128x64xf32, #tpu.memory_space<vmem>>, %arg9: memref<128x64xf32, #tpu.memory_space<vmem>>, %arg10: memref<128x64xf32, #tpu.memory_space<vmem>>, %arg11: memref<128x64xf32, #tpu.memory_space<vmem>>, %arg12: memref<128x64xf32, #tpu.memory_space<vmem>>, %arg13: memref<128x64xf32, #tpu.memory_space<vmem>>, %arg14: memref<!tpu.dma_semaphore, #tpu.memory_space<semaphore_mem>>, %arg15: memref<!tpu.dma_semaphore, #tpu.memory_space<semaphore_mem>>, %arg16: memref<!tpu.dma_semaphore, #tpu.memory_space<semaphore_mem>>, %arg17: memref<!tpu.dma_semaphore, #tpu.memory_space<semaphore_mem>>, %arg18: memref<!tpu.dma_semaphore, #tpu.memory_space<semaphore_mem>>, %arg19: memref<!tpu.dma_semaphore, #tpu.memory_space<semaphore_mem>>, %arg20: memref<!tpu.dma_semaphore, #tpu.memory_space<semaphore_mem>>, %arg21: memref<!tpu.dma_semaphore, #tpu.memory_space<semaphore_mem>>, %arg22: memref<!tpu.dma_semaphore, #tpu.memory_space<semaphore_mem>>, %arg23: memref<!tpu.dma_semaphore, #tpu.memory_space<semaphore_mem>>, %arg24: memref<!tpu.dma_semaphore, #tpu.memory_space<semaphore_mem>>, %arg25: memref<!tpu.dma_semaphore, #tpu.memory_space<semaphore_mem>>, %arg26: memref<!tpu.dma_semaphore, #tpu.memory_space<semaphore_mem>>, %arg27: memref<!tpu.dma_semaphore, #tpu.memory_space<semaphore_mem>>, %arg28: memref<!tpu.dma_semaphore, #tpu.memory_space<semaphore_mem>>, %arg29: memref<!tpu.dma_semaphore, #tpu.memory_space<semaphore_mem>>) attributes {dimension_semantics = [#tpu.dimension_semantics<core_parallel>, #tpu.dimension_semantics<subcore_parallel>], iteration_bounds = array<i64: 2, 16>, scalar_prefetch = 0 : i64, scratch_operands = 25 : i64, tpu.core_type = #tpu.core_type<sc_vector_subcore>, window_params = [{transform_indices = #map}, {transform_indices = #map1}, {transform_indices = #map1}]} {
    %mul3A = arith.constant 2 : i32
    %mul3A_0 = arith.muli %arg1, %mul3A : i32
    %add3A = arith.addi %mul3A_0, %arg0 : i32
    %mul3A_1 = arith.constant 25600 : i32
    %mul3A_2 = arith.muli %add3A, %mul3A_1 : i32
    "tpu.region"() ({
      %run_scoped3A = tpu.sem_alloc : memref<!tpu.dma_semaphore, #tpu.memory_space<semaphore_mem>>
      %dma_start3A_182 = tpu.memref_slice %arg2[%mul3A_2] : memref<819200xi32, #tpu.memory_space<hbm>> -> memref<25600xi32, #tpu.memory_space<hbm>>
      %dma_start3A_183 = tpu.memref_slice %arg2[%mul3A_2] : memref<819200xi32, #tpu.memory_space<hbm>> -> memref<25600xi32, #tpu.memory_space<hbm>>
      tpu.enqueue_dma source(%dma_start3A_183 : memref<25600xi32, #tpu.memory_space<hbm>>) target(%arg5 : memref<25600xi32, #tpu.memory_space<vmem>>) target_semaphore(%run_scoped3A : memref<!tpu.dma_semaphore, #tpu.memory_space<semaphore_mem>>)
      %dma_wait3A_184 = tpu.memref_slice %arg2[%mul3A_2] : memref<819200xi32, #tpu.memory_space<hbm>> -> memref<25600xi32, #tpu.memory_space<hbm>>
      %dma_wait3A_185 = tpu.memref_slice %arg2[%mul3A_2] : memref<819200xi32, #tpu.memory_space<hbm>> -> memref<25600xi32, #tpu.memory_space<hbm>>
      tpu.wait_dma2 semaphore(%run_scoped3A : memref<!tpu.dma_semaphore, #tpu.memory_space<semaphore_mem>>) src(%dma_wait3A_185 : memref<25600xi32, #tpu.memory_space<hbm>>) dst(%arg5 : memref<25600xi32, #tpu.memory_space<vmem>>)
      tpu.yield
    }) : () -> ()
    %dma_start3A = arith.constant 0 : i32
    %dma_start3A_3 = tpu.memref_slice %arg5[%dma_start3A] : memref<25600xi32, #tpu.memory_space<vmem>> -> memref<128xi32, #tpu.memory_space<vmem>>
    %dma_start3A_4 = arith.constant 0 : i32
    %dma_start3A_5 = arith.constant 0 : i32
    %dma_start3A_6 = tpu.memref_slice %arg3[%dma_start3A_4, %dma_start3A_5] : memref<1000000x64xf32, #tpu.memory_space<hbm>> -> memref<1000000x64xf32, #tpu.memory_space<hbm>>
    tpu.enqueue_indirect_dma source(%dma_start3A_6 : memref<1000000x64xf32, #tpu.memory_space<hbm>>) target(%arg6 : memref<128x64xf32, #tpu.memory_space<vmem>>) offsets(%dma_start3A_3 : memref<128xi32, #tpu.memory_space<vmem>>) semaphore(%arg14 : memref<!tpu.dma_semaphore, #tpu.memory_space<semaphore_mem>>)
    %dma_start3A_7 = arith.constant 128 : i32
    %dma_start3A_8 = tpu.memref_slice %arg5[%dma_start3A_7] : memref<25600xi32, #tpu.memory_space<vmem>> -> memref<128xi32, #tpu.memory_space<vmem>>
    %dma_start3A_9 = arith.constant 0 : i32
    %dma_start3A_10 = arith.constant 0 : i32
    %dma_start3A_11 = tpu.memref_slice %arg3[%dma_start3A_9, %dma_start3A_10] : memref<1000000x64xf32, #tpu.memory_space<hbm>> -> memref<1000000x64xf32, #tpu.memory_space<hbm>>
    tpu.enqueue_indirect_dma source(%dma_start3A_11 : memref<1000000x64xf32, #tpu.memory_space<hbm>>) target(%arg7 : memref<128x64xf32, #tpu.memory_space<vmem>>) offsets(%dma_start3A_8 : memref<128xi32, #tpu.memory_space<vmem>>) semaphore(%arg15 : memref<!tpu.dma_semaphore, #tpu.memory_space<semaphore_mem>>)
    %dma_start3A_12 = arith.constant 256 : i32
    %dma_start3A_13 = tpu.memref_slice %arg5[%dma_start3A_12] : memref<25600xi32, #tpu.memory_space<vmem>> -> memref<128xi32, #tpu.memory_space<vmem>>
    %dma_start3A_14 = arith.constant 0 : i32
    %dma_start3A_15 = arith.constant 0 : i32
    %dma_start3A_16 = tpu.memref_slice %arg3[%dma_start3A_14, %dma_start3A_15] : memref<1000000x64xf32, #tpu.memory_space<hbm>> -> memref<1000000x64xf32, #tpu.memory_space<hbm>>
    tpu.enqueue_indirect_dma source(%dma_start3A_16 : memref<1000000x64xf32, #tpu.memory_space<hbm>>) target(%arg8 : memref<128x64xf32, #tpu.memory_space<vmem>>) offsets(%dma_start3A_13 : memref<128xi32, #tpu.memory_space<vmem>>) semaphore(%arg16 : memref<!tpu.dma_semaphore, #tpu.memory_space<semaphore_mem>>)
    %dma_start3A_17 = arith.constant 384 : i32
    %dma_start3A_18 = tpu.memref_slice %arg5[%dma_start3A_17] : memref<25600xi32, #tpu.memory_space<vmem>> -> memref<128xi32, #tpu.memory_space<vmem>>
    %dma_start3A_19 = arith.constant 0 : i32
    %dma_start3A_20 = arith.constant 0 : i32
    %dma_start3A_21 = tpu.memref_slice %arg3[%dma_start3A_19, %dma_start3A_20] : memref<1000000x64xf32, #tpu.memory_space<hbm>> -> memref<1000000x64xf32, #tpu.memory_space<hbm>>
    tpu.enqueue_indirect_dma source(%dma_start3A_21 : memref<1000000x64xf32, #tpu.memory_space<hbm>>) target(%arg9 : memref<128x64xf32, #tpu.memory_space<vmem>>) offsets(%dma_start3A_18 : memref<128xi32, #tpu.memory_space<vmem>>) semaphore(%arg17 : memref<!tpu.dma_semaphore, #tpu.memory_space<semaphore_mem>>)
    %dma_start3A_22 = arith.constant 512 : i32
    %dma_start3A_23 = tpu.memref_slice %arg5[%dma_start3A_22] : memref<25600xi32, #tpu.memory_space<vmem>> -> memref<128xi32, #tpu.memory_space<vmem>>
    %dma_start3A_24 = arith.constant 0 : i32
    %dma_start3A_25 = arith.constant 0 : i32
    %dma_start3A_26 = tpu.memref_slice %arg3[%dma_start3A_24, %dma_start3A_25] : memref<1000000x64xf32, #tpu.memory_space<hbm>> -> memref<1000000x64xf32, #tpu.memory_space<hbm>>
    tpu.enqueue_indirect_dma source(%dma_start3A_26 : memref<1000000x64xf32, #tpu.memory_space<hbm>>) target(%arg10 : memref<128x64xf32, #tpu.memory_space<vmem>>) offsets(%dma_start3A_23 : memref<128xi32, #tpu.memory_space<vmem>>) semaphore(%arg18 : memref<!tpu.dma_semaphore, #tpu.memory_space<semaphore_mem>>)
    %dma_start3A_27 = arith.constant 640 : i32
    %dma_start3A_28 = tpu.memref_slice %arg5[%dma_start3A_27] : memref<25600xi32, #tpu.memory_space<vmem>> -> memref<128xi32, #tpu.memory_space<vmem>>
    %dma_start3A_29 = arith.constant 0 : i32
    %dma_start3A_30 = arith.constant 0 : i32
    %dma_start3A_31 = tpu.memref_slice %arg3[%dma_start3A_29, %dma_start3A_30] : memref<1000000x64xf32, #tpu.memory_space<hbm>> -> memref<1000000x64xf32, #tpu.memory_space<hbm>>
    tpu.enqueue_indirect_dma source(%dma_start3A_31 : memref<1000000x64xf32, #tpu.memory_space<hbm>>) target(%arg11 : memref<128x64xf32, #tpu.memory_space<vmem>>) offsets(%dma_start3A_28 : memref<128xi32, #tpu.memory_space<vmem>>) semaphore(%arg19 : memref<!tpu.dma_semaphore, #tpu.memory_space<semaphore_mem>>)
    %dma_start3A_32 = arith.constant 768 : i32
    %dma_start3A_33 = tpu.memref_slice %arg5[%dma_start3A_32] : memref<25600xi32, #tpu.memory_space<vmem>> -> memref<128xi32, #tpu.memory_space<vmem>>
    %dma_start3A_34 = arith.constant 0 : i32
    %dma_start3A_35 = arith.constant 0 : i32
    %dma_start3A_36 = tpu.memref_slice %arg3[%dma_start3A_34, %dma_start3A_35] : memref<1000000x64xf32, #tpu.memory_space<hbm>> -> memref<1000000x64xf32, #tpu.memory_space<hbm>>
    tpu.enqueue_indirect_dma source(%dma_start3A_36 : memref<1000000x64xf32, #tpu.memory_space<hbm>>) target(%arg12 : memref<128x64xf32, #tpu.memory_space<vmem>>) offsets(%dma_start3A_33 : memref<128xi32, #tpu.memory_space<vmem>>) semaphore(%arg20 : memref<!tpu.dma_semaphore, #tpu.memory_space<semaphore_mem>>)
    %dma_start3A_37 = arith.constant 896 : i32
    %dma_start3A_38 = tpu.memref_slice %arg5[%dma_start3A_37] : memref<25600xi32, #tpu.memory_space<vmem>> -> memref<128xi32, #tpu.memory_space<vmem>>
    %dma_start3A_39 = arith.constant 0 : i32
    %dma_start3A_40 = arith.constant 0 : i32
    %dma_start3A_41 = tpu.memref_slice %arg3[%dma_start3A_39, %dma_start3A_40] : memref<1000000x64xf32, #tpu.memory_space<hbm>> -> memref<1000000x64xf32, #tpu.memory_space<hbm>>
    tpu.enqueue_indirect_dma source(%dma_start3A_41 : memref<1000000x64xf32, #tpu.memory_space<hbm>>) target(%arg13 : memref<128x64xf32, #tpu.memory_space<vmem>>) offsets(%dma_start3A_38 : memref<128xi32, #tpu.memory_space<vmem>>) semaphore(%arg21 : memref<!tpu.dma_semaphore, #tpu.memory_space<semaphore_mem>>)
    %scan3A = arith.constant 0 : i32
    %scan3A_42 = arith.constant 0 : i32
    %scan3A_43 = arith.constant 24 : i32
    %scan3A_44 = arith.addi %scan3A_42, %scan3A_43 : i32
    %scan3A_45 = arith.constant 1 : i32
    scf.for %scan3A_182 = %scan3A_42 to %scan3A_44 step %scan3A_45  : i32 {
      %mul3A_183 = arith.constant 8 : i32
      %mul3A_184 = arith.muli %scan3A_182, %mul3A_183 : i32
      %add3A_185 = arith.constant 0 : i32
      %add3A_186 = arith.addi %mul3A_184, %add3A_185 : i32
      %mul3A_187 = arith.constant 128 : i32
      %mul3A_188 = arith.muli %add3A_186, %mul3A_187 : i32
      %dma_wait3A_189 = tpu.memref_slice %arg5[%mul3A_188] : memref<25600xi32, #tpu.memory_space<vmem>> -> memref<128xi32, #tpu.memory_space<vmem>>
      %dma_wait3A_190 = arith.constant 0 : i32
      %dma_wait3A_191 = arith.constant 0 : i32
      %dma_wait3A_192 = tpu.memref_slice %arg3[%dma_wait3A_190, %dma_wait3A_191] : memref<1000000x64xf32, #tpu.memory_space<hbm>> -> memref<1000000x64xf32, #tpu.memory_space<hbm>>
      tpu.wait_indirect_dma semaphore(%arg14 : memref<!tpu.dma_semaphore, #tpu.memory_space<semaphore_mem>>) src(%dma_wait3A_192 : memref<1000000x64xf32, #tpu.memory_space<hbm>>) dst(%arg6 : memref<128x64xf32, #tpu.memory_space<vmem>>)
      %mul3A_193 = arith.constant 128 : i32
      %mul3A_194 = arith.muli %add3A_186, %mul3A_193 : i32
      %add3A_195 = arith.addi %mul3A_2, %mul3A_194 : i32
      %dma_start3A_196 = arith.constant 0 : i32
      %dma_start3A_197 = tpu.memref_slice %arg4[%add3A_195, %dma_start3A_196] : memref<819200x64xf32, #tpu.memory_space<hbm>> -> memref<128x64xf32, #tpu.memory_space<hbm>>
      %dma_start3A_198 = arith.constant 0 : i32
      %dma_start3A_199 = tpu.memref_slice %arg4[%add3A_195, %dma_start3A_198] : memref<819200x64xf32, #tpu.memory_space<hbm>> -> memref<128x64xf32, #tpu.memory_space<hbm>>
      tpu.enqueue_dma source(%arg6 : memref<128x64xf32, #tpu.memory_space<vmem>>) target(%dma_start3A_199 : memref<128x64xf32, #tpu.memory_space<hbm>>) target_semaphore(%arg22 : memref<!tpu.dma_semaphore, #tpu.memory_space<semaphore_mem>>)
      %mul3A_200 = arith.constant 128 : i32
      %mul3A_201 = arith.muli %add3A_186, %mul3A_200 : i32
      %add3A_202 = arith.addi %mul3A_2, %mul3A_201 : i32
      %dma_wait3A_203 = arith.constant 0 : i32
      %dma_wait3A_204 = tpu.memref_slice %arg4[%add3A_202, %dma_wait3A_203] : memref<819200x64xf32, #tpu.memory_space<hbm>> -> memref<128x64xf32, #tpu.memory_space<hbm>>
      %dma_wait3A_205 = arith.constant 0 : i32
      %dma_wait3A_206 = tpu.memref_slice %arg4[%add3A_202, %dma_wait3A_205] : memref<819200x64xf32, #tpu.memory_space<hbm>> -> memref<128x64xf32, #tpu.memory_space<hbm>>
      tpu.wait_dma2 semaphore(%arg22 : memref<!tpu.dma_semaphore, #tpu.memory_space<semaphore_mem>>) src(%arg6 : memref<128x64xf32, #tpu.memory_space<vmem>>) dst(%dma_wait3A_206 : memref<128x64xf32, #tpu.memory_space<hbm>>)
      %add3A_207 = arith.constant 8 : i32
      %add3A_208 = arith.addi %add3A_186, %add3A_207 : i32
      %mul3A_209 = arith.constant 128 : i32
      %mul3A_210 = arith.muli %add3A_208, %mul3A_209 : i32
      %dma_start3A_211 = tpu.memref_slice %arg5[%mul3A_210] : memref<25600xi32, #tpu.memory_space<vmem>> -> memref<128xi32, #tpu.memory_space<vmem>>
      %dma_start3A_212 = arith.constant 0 : i32
      %dma_start3A_213 = arith.constant 0 : i32
      %dma_start3A_214 = tpu.memref_slice %arg3[%dma_start3A_212, %dma_start3A_213] : memref<1000000x64xf32, #tpu.memory_space<hbm>> -> memref<1000000x64xf32, #tpu.memory_space<hbm>>
      tpu.enqueue_indirect_dma source(%dma_start3A_214 : memref<1000000x64xf32, #tpu.memory_space<hbm>>) target(%arg6 : memref<128x64xf32, #tpu.memory_space<vmem>>) offsets(%dma_start3A_211 : memref<128xi32, #tpu.memory_space<vmem>>) semaphore(%arg14 : memref<!tpu.dma_semaphore, #tpu.memory_space<semaphore_mem>>)
      %mul3A_215 = arith.constant 8 : i32
      %mul3A_216 = arith.muli %scan3A_182, %mul3A_215 : i32
      %add3A_217 = arith.constant 1 : i32
      %add3A_218 = arith.addi %mul3A_216, %add3A_217 : i32
      %mul3A_219 = arith.constant 128 : i32
      %mul3A_220 = arith.muli %add3A_218, %mul3A_219 : i32
      %dma_wait3A_221 = tpu.memref_slice %arg5[%mul3A_220] : memref<25600xi32, #tpu.memory_space<vmem>> -> memref<128xi32, #tpu.memory_space<vmem>>
      %dma_wait3A_222 = arith.constant 0 : i32
      %dma_wait3A_223 = arith.constant 0 : i32
      %dma_wait3A_224 = tpu.memref_slice %arg3[%dma_wait3A_222, %dma_wait3A_223] : memref<1000000x64xf32, #tpu.memory_space<hbm>> -> memref<1000000x64xf32, #tpu.memory_space<hbm>>
      tpu.wait_indirect_dma semaphore(%arg15 : memref<!tpu.dma_semaphore, #tpu.memory_space<semaphore_mem>>) src(%dma_wait3A_224 : memref<1000000x64xf32, #tpu.memory_space<hbm>>) dst(%arg7 : memref<128x64xf32, #tpu.memory_space<vmem>>)
      %mul3A_225 = arith.constant 128 : i32
      %mul3A_226 = arith.muli %add3A_218, %mul3A_225 : i32
      %add3A_227 = arith.addi %mul3A_2, %mul3A_226 : i32
      %dma_start3A_228 = arith.constant 0 : i32
      %dma_start3A_229 = tpu.memref_slice %arg4[%add3A_227, %dma_start3A_228] : memref<819200x64xf32, #tpu.memory_space<hbm>> -> memref<128x64xf32, #tpu.memory_space<hbm>>
      %dma_start3A_230 = arith.constant 0 : i32
      %dma_start3A_231 = tpu.memref_slice %arg4[%add3A_227, %dma_start3A_230] : memref<819200x64xf32, #tpu.memory_space<hbm>> -> memref<128x64xf32, #tpu.memory_space<hbm>>
      tpu.enqueue_dma source(%arg7 : memref<128x64xf32, #tpu.memory_space<vmem>>) target(%dma_start3A_231 : memref<128x64xf32, #tpu.memory_space<hbm>>) target_semaphore(%arg23 : memref<!tpu.dma_semaphore, #tpu.memory_space<semaphore_mem>>)
      %mul3A_232 = arith.constant 128 : i32
      %mul3A_233 = arith.muli %add3A_218, %mul3A_232 : i32
      %add3A_234 = arith.addi %mul3A_2, %mul3A_233 : i32
      %dma_wait3A_235 = arith.constant 0 : i32
      %dma_wait3A_236 = tpu.memref_slice %arg4[%add3A_234, %dma_wait3A_235] : memref<819200x64xf32, #tpu.memory_space<hbm>> -> memref<128x64xf32, #tpu.memory_space<hbm>>
      %dma_wait3A_237 = arith.constant 0 : i32
      %dma_wait3A_238 = tpu.memref_slice %arg4[%add3A_234, %dma_wait3A_237] : memref<819200x64xf32, #tpu.memory_space<hbm>> -> memref<128x64xf32, #tpu.memory_space<hbm>>
      tpu.wait_dma2 semaphore(%arg23 : memref<!tpu.dma_semaphore, #tpu.memory_space<semaphore_mem>>) src(%arg7 : memref<128x64xf32, #tpu.memory_space<vmem>>) dst(%dma_wait3A_238 : memref<128x64xf32, #tpu.memory_space<hbm>>)
      %add3A_239 = arith.constant 8 : i32
      %add3A_240 = arith.addi %add3A_218, %add3A_239 : i32
      %mul3A_241 = arith.constant 128 : i32
      %mul3A_242 = arith.muli %add3A_240, %mul3A_241 : i32
      %dma_start3A_243 = tpu.memref_slice %arg5[%mul3A_242] : memref<25600xi32, #tpu.memory_space<vmem>> -> memref<128xi32, #tpu.memory_space<vmem>>
      %dma_start3A_244 = arith.constant 0 : i32
      %dma_start3A_245 = arith.constant 0 : i32
      %dma_start3A_246 = tpu.memref_slice %arg3[%dma_start3A_244, %dma_start3A_245] : memref<1000000x64xf32, #tpu.memory_space<hbm>> -> memref<1000000x64xf32, #tpu.memory_space<hbm>>
      tpu.enqueue_indirect_dma source(%dma_start3A_246 : memref<1000000x64xf32, #tpu.memory_space<hbm>>) target(%arg7 : memref<128x64xf32, #tpu.memory_space<vmem>>) offsets(%dma_start3A_243 : memref<128xi32, #tpu.memory_space<vmem>>) semaphore(%arg15 : memref<!tpu.dma_semaphore, #tpu.memory_space<semaphore_mem>>)
      %mul3A_247 = arith.constant 8 : i32
      %mul3A_248 = arith.muli %scan3A_182, %mul3A_247 : i32
      %add3A_249 = arith.constant 2 : i32
      %add3A_250 = arith.addi %mul3A_248, %add3A_249 : i32
      %mul3A_251 = arith.constant 128 : i32
      %mul3A_252 = arith.muli %add3A_250, %mul3A_251 : i32
      %dma_wait3A_253 = tpu.memref_slice %arg5[%mul3A_252] : memref<25600xi32, #tpu.memory_space<vmem>> -> memref<128xi32, #tpu.memory_space<vmem>>
      %dma_wait3A_254 = arith.constant 0 : i32
      %dma_wait3A_255 = arith.constant 0 : i32
      %dma_wait3A_256 = tpu.memref_slice %arg3[%dma_wait3A_254, %dma_wait3A_255] : memref<1000000x64xf32, #tpu.memory_space<hbm>> -> memref<1000000x64xf32, #tpu.memory_space<hbm>>
      tpu.wait_indirect_dma semaphore(%arg16 : memref<!tpu.dma_semaphore, #tpu.memory_space<semaphore_mem>>) src(%dma_wait3A_256 : memref<1000000x64xf32, #tpu.memory_space<hbm>>) dst(%arg8 : memref<128x64xf32, #tpu.memory_space<vmem>>)
      %mul3A_257 = arith.constant 128 : i32
      %mul3A_258 = arith.muli %add3A_250, %mul3A_257 : i32
      %add3A_259 = arith.addi %mul3A_2, %mul3A_258 : i32
      %dma_start3A_260 = arith.constant 0 : i32
      %dma_start3A_261 = tpu.memref_slice %arg4[%add3A_259, %dma_start3A_260] : memref<819200x64xf32, #tpu.memory_space<hbm>> -> memref<128x64xf32, #tpu.memory_space<hbm>>
      %dma_start3A_262 = arith.constant 0 : i32
      %dma_start3A_263 = tpu.memref_slice %arg4[%add3A_259, %dma_start3A_262] : memref<819200x64xf32, #tpu.memory_space<hbm>> -> memref<128x64xf32, #tpu.memory_space<hbm>>
      tpu.enqueue_dma source(%arg8 : memref<128x64xf32, #tpu.memory_space<vmem>>) target(%dma_start3A_263 : memref<128x64xf32, #tpu.memory_space<hbm>>) target_semaphore(%arg24 : memref<!tpu.dma_semaphore, #tpu.memory_space<semaphore_mem>>)
      %mul3A_264 = arith.constant 128 : i32
      %mul3A_265 = arith.muli %add3A_250, %mul3A_264 : i32
      %add3A_266 = arith.addi %mul3A_2, %mul3A_265 : i32
      %dma_wait3A_267 = arith.constant 0 : i32
      %dma_wait3A_268 = tpu.memref_slice %arg4[%add3A_266, %dma_wait3A_267] : memref<819200x64xf32, #tpu.memory_space<hbm>> -> memref<128x64xf32, #tpu.memory_space<hbm>>
      %dma_wait3A_269 = arith.constant 0 : i32
      %dma_wait3A_270 = tpu.memref_slice %arg4[%add3A_266, %dma_wait3A_269] : memref<819200x64xf32, #tpu.memory_space<hbm>> -> memref<128x64xf32, #tpu.memory_space<hbm>>
      tpu.wait_dma2 semaphore(%arg24 : memref<!tpu.dma_semaphore, #tpu.memory_space<semaphore_mem>>) src(%arg8 : memref<128x64xf32, #tpu.memory_space<vmem>>) dst(%dma_wait3A_270 : memref<128x64xf32, #tpu.memory_space<hbm>>)
      %add3A_271 = arith.constant 8 : i32
      %add3A_272 = arith.addi %add3A_250, %add3A_271 : i32
      %mul3A_273 = arith.constant 128 : i32
      %mul3A_274 = arith.muli %add3A_272, %mul3A_273 : i32
      %dma_start3A_275 = tpu.memref_slice %arg5[%mul3A_274] : memref<25600xi32, #tpu.memory_space<vmem>> -> memref<128xi32, #tpu.memory_space<vmem>>
      %dma_start3A_276 = arith.constant 0 : i32
      %dma_start3A_277 = arith.constant 0 : i32
      %dma_start3A_278 = tpu.memref_slice %arg3[%dma_start3A_276, %dma_start3A_277] : memref<1000000x64xf32, #tpu.memory_space<hbm>> -> memref<1000000x64xf32, #tpu.memory_space<hbm>>
      tpu.enqueue_indirect_dma source(%dma_start3A_278 : memref<1000000x64xf32, #tpu.memory_space<hbm>>) target(%arg8 : memref<128x64xf32, #tpu.memory_space<vmem>>) offsets(%dma_start3A_275 : memref<128xi32, #tpu.memory_space<vmem>>) semaphore(%arg16 : memref<!tpu.dma_semaphore, #tpu.memory_space<semaphore_mem>>)
      %mul3A_279 = arith.constant 8 : i32
      %mul3A_280 = arith.muli %scan3A_182, %mul3A_279 : i32
      %add3A_281 = arith.constant 3 : i32
      %add3A_282 = arith.addi %mul3A_280, %add3A_281 : i32
      %mul3A_283 = arith.constant 128 : i32
      %mul3A_284 = arith.muli %add3A_282, %mul3A_283 : i32
      %dma_wait3A_285 = tpu.memref_slice %arg5[%mul3A_284] : memref<25600xi32, #tpu.memory_space<vmem>> -> memref<128xi32, #tpu.memory_space<vmem>>
      %dma_wait3A_286 = arith.constant 0 : i32
      %dma_wait3A_287 = arith.constant 0 : i32
      %dma_wait3A_288 = tpu.memref_slice %arg3[%dma_wait3A_286, %dma_wait3A_287] : memref<1000000x64xf32, #tpu.memory_space<hbm>> -> memref<1000000x64xf32, #tpu.memory_space<hbm>>
      tpu.wait_indirect_dma semaphore(%arg17 : memref<!tpu.dma_semaphore, #tpu.memory_space<semaphore_mem>>) src(%dma_wait3A_288 : memref<1000000x64xf32, #tpu.memory_space<hbm>>) dst(%arg9 : memref<128x64xf32, #tpu.memory_space<vmem>>)
      %mul3A_289 = arith.constant 128 : i32
      %mul3A_290 = arith.muli %add3A_282, %mul3A_289 : i32
      %add3A_291 = arith.addi %mul3A_2, %mul3A_290 : i32
      %dma_start3A_292 = arith.constant 0 : i32
      %dma_start3A_293 = tpu.memref_slice %arg4[%add3A_291, %dma_start3A_292] : memref<819200x64xf32, #tpu.memory_space<hbm>> -> memref<128x64xf32, #tpu.memory_space<hbm>>
      %dma_start3A_294 = arith.constant 0 : i32
      %dma_start3A_295 = tpu.memref_slice %arg4[%add3A_291, %dma_start3A_294] : memref<819200x64xf32, #tpu.memory_space<hbm>> -> memref<128x64xf32, #tpu.memory_space<hbm>>
      tpu.enqueue_dma source(%arg9 : memref<128x64xf32, #tpu.memory_space<vmem>>) target(%dma_start3A_295 : memref<128x64xf32, #tpu.memory_space<hbm>>) target_semaphore(%arg25 : memref<!tpu.dma_semaphore, #tpu.memory_space<semaphore_mem>>)
      %mul3A_296 = arith.constant 128 : i32
      %mul3A_297 = arith.muli %add3A_282, %mul3A_296 : i32
      %add3A_298 = arith.addi %mul3A_2, %mul3A_297 : i32
      %dma_wait3A_299 = arith.constant 0 : i32
      %dma_wait3A_300 = tpu.memref_slice %arg4[%add3A_298, %dma_wait3A_299] : memref<819200x64xf32, #tpu.memory_space<hbm>> -> memref<128x64xf32, #tpu.memory_space<hbm>>
      %dma_wait3A_301 = arith.constant 0 : i32
      %dma_wait3A_302 = tpu.memref_slice %arg4[%add3A_298, %dma_wait3A_301] : memref<819200x64xf32, #tpu.memory_space<hbm>> -> memref<128x64xf32, #tpu.memory_space<hbm>>
      tpu.wait_dma2 semaphore(%arg25 : memref<!tpu.dma_semaphore, #tpu.memory_space<semaphore_mem>>) src(%arg9 : memref<128x64xf32, #tpu.memory_space<vmem>>) dst(%dma_wait3A_302 : memref<128x64xf32, #tpu.memory_space<hbm>>)
      %add3A_303 = arith.constant 8 : i32
      %add3A_304 = arith.addi %add3A_282, %add3A_303 : i32
      %mul3A_305 = arith.constant 128 : i32
      %mul3A_306 = arith.muli %add3A_304, %mul3A_305 : i32
      %dma_start3A_307 = tpu.memref_slice %arg5[%mul3A_306] : memref<25600xi32, #tpu.memory_space<vmem>> -> memref<128xi32, #tpu.memory_space<vmem>>
      %dma_start3A_308 = arith.constant 0 : i32
      %dma_start3A_309 = arith.constant 0 : i32
      %dma_start3A_310 = tpu.memref_slice %arg3[%dma_start3A_308, %dma_start3A_309] : memref<1000000x64xf32, #tpu.memory_space<hbm>> -> memref<1000000x64xf32, #tpu.memory_space<hbm>>
      tpu.enqueue_indirect_dma source(%dma_start3A_310 : memref<1000000x64xf32, #tpu.memory_space<hbm>>) target(%arg9 : memref<128x64xf32, #tpu.memory_space<vmem>>) offsets(%dma_start3A_307 : memref<128xi32, #tpu.memory_space<vmem>>) semaphore(%arg17 : memref<!tpu.dma_semaphore, #tpu.memory_space<semaphore_mem>>)
      %mul3A_311 = arith.constant 8 : i32
      %mul3A_312 = arith.muli %scan3A_182, %mul3A_311 : i32
      %add3A_313 = arith.constant 4 : i32
      %add3A_314 = arith.addi %mul3A_312, %add3A_313 : i32
      %mul3A_315 = arith.constant 128 : i32
      %mul3A_316 = arith.muli %add3A_314, %mul3A_315 : i32
      %dma_wait3A_317 = tpu.memref_slice %arg5[%mul3A_316] : memref<25600xi32, #tpu.memory_space<vmem>> -> memref<128xi32, #tpu.memory_space<vmem>>
      %dma_wait3A_318 = arith.constant 0 : i32
      %dma_wait3A_319 = arith.constant 0 : i32
      %dma_wait3A_320 = tpu.memref_slice %arg3[%dma_wait3A_318, %dma_wait3A_319] : memref<1000000x64xf32, #tpu.memory_space<hbm>> -> memref<1000000x64xf32, #tpu.memory_space<hbm>>
      tpu.wait_indirect_dma semaphore(%arg18 : memref<!tpu.dma_semaphore, #tpu.memory_space<semaphore_mem>>) src(%dma_wait3A_320 : memref<1000000x64xf32, #tpu.memory_space<hbm>>) dst(%arg10 : memref<128x64xf32, #tpu.memory_space<vmem>>)
      %mul3A_321 = arith.constant 128 : i32
      %mul3A_322 = arith.muli %add3A_314, %mul3A_321 : i32
      %add3A_323 = arith.addi %mul3A_2, %mul3A_322 : i32
      %dma_start3A_324 = arith.constant 0 : i32
      %dma_start3A_325 = tpu.memref_slice %arg4[%add3A_323, %dma_start3A_324] : memref<819200x64xf32, #tpu.memory_space<hbm>> -> memref<128x64xf32, #tpu.memory_space<hbm>>
      %dma_start3A_326 = arith.constant 0 : i32
      %dma_start3A_327 = tpu.memref_slice %arg4[%add3A_323, %dma_start3A_326] : memref<819200x64xf32, #tpu.memory_space<hbm>> -> memref<128x64xf32, #tpu.memory_space<hbm>>
      tpu.enqueue_dma source(%arg10 : memref<128x64xf32, #tpu.memory_space<vmem>>) target(%dma_start3A_327 : memref<128x64xf32, #tpu.memory_space<hbm>>) target_semaphore(%arg26 : memref<!tpu.dma_semaphore, #tpu.memory_space<semaphore_mem>>)
      %mul3A_328 = arith.constant 128 : i32
      %mul3A_329 = arith.muli %add3A_314, %mul3A_328 : i32
      %add3A_330 = arith.addi %mul3A_2, %mul3A_329 : i32
      %dma_wait3A_331 = arith.constant 0 : i32
      %dma_wait3A_332 = tpu.memref_slice %arg4[%add3A_330, %dma_wait3A_331] : memref<819200x64xf32, #tpu.memory_space<hbm>> -> memref<128x64xf32, #tpu.memory_space<hbm>>
      %dma_wait3A_333 = arith.constant 0 : i32
      %dma_wait3A_334 = tpu.memref_slice %arg4[%add3A_330, %dma_wait3A_333] : memref<819200x64xf32, #tpu.memory_space<hbm>> -> memref<128x64xf32, #tpu.memory_space<hbm>>
      tpu.wait_dma2 semaphore(%arg26 : memref<!tpu.dma_semaphore, #tpu.memory_space<semaphore_mem>>) src(%arg10 : memref<128x64xf32, #tpu.memory_space<vmem>>) dst(%dma_wait3A_334 : memref<128x64xf32, #tpu.memory_space<hbm>>)
      %add3A_335 = arith.constant 8 : i32
      %add3A_336 = arith.addi %add3A_314, %add3A_335 : i32
      %mul3A_337 = arith.constant 128 : i32
      %mul3A_338 = arith.muli %add3A_336, %mul3A_337 : i32
      %dma_start3A_339 = tpu.memref_slice %arg5[%mul3A_338] : memref<25600xi32, #tpu.memory_space<vmem>> -> memref<128xi32, #tpu.memory_space<vmem>>
      %dma_start3A_340 = arith.constant 0 : i32
      %dma_start3A_341 = arith.constant 0 : i32
      %dma_start3A_342 = tpu.memref_slice %arg3[%dma_start3A_340, %dma_start3A_341] : memref<1000000x64xf32, #tpu.memory_space<hbm>> -> memref<1000000x64xf32, #tpu.memory_space<hbm>>
      tpu.enqueue_indirect_dma source(%dma_start3A_342 : memref<1000000x64xf32, #tpu.memory_space<hbm>>) target(%arg10 : memref<128x64xf32, #tpu.memory_space<vmem>>) offsets(%dma_start3A_339 : memref<128xi32, #tpu.memory_space<vmem>>) semaphore(%arg18 : memref<!tpu.dma_semaphore, #tpu.memory_space<semaphore_mem>>)
      %mul3A_343 = arith.constant 8 : i32
      %mul3A_344 = arith.muli %scan3A_182, %mul3A_343 : i32
      %add3A_345 = arith.constant 5 : i32
      %add3A_346 = arith.addi %mul3A_344, %add3A_345 : i32
      %mul3A_347 = arith.constant 128 : i32
      %mul3A_348 = arith.muli %add3A_346, %mul3A_347 : i32
      %dma_wait3A_349 = tpu.memref_slice %arg5[%mul3A_348] : memref<25600xi32, #tpu.memory_space<vmem>> -> memref<128xi32, #tpu.memory_space<vmem>>
      %dma_wait3A_350 = arith.constant 0 : i32
      %dma_wait3A_351 = arith.constant 0 : i32
      %dma_wait3A_352 = tpu.memref_slice %arg3[%dma_wait3A_350, %dma_wait3A_351] : memref<1000000x64xf32, #tpu.memory_space<hbm>> -> memref<1000000x64xf32, #tpu.memory_space<hbm>>
      tpu.wait_indirect_dma semaphore(%arg19 : memref<!tpu.dma_semaphore, #tpu.memory_space<semaphore_mem>>) src(%dma_wait3A_352 : memref<1000000x64xf32, #tpu.memory_space<hbm>>) dst(%arg11 : memref<128x64xf32, #tpu.memory_space<vmem>>)
      %mul3A_353 = arith.constant 128 : i32
      %mul3A_354 = arith.muli %add3A_346, %mul3A_353 : i32
      %add3A_355 = arith.addi %mul3A_2, %mul3A_354 : i32
      %dma_start3A_356 = arith.constant 0 : i32
      %dma_start3A_357 = tpu.memref_slice %arg4[%add3A_355, %dma_start3A_356] : memref<819200x64xf32, #tpu.memory_space<hbm>> -> memref<128x64xf32, #tpu.memory_space<hbm>>
      %dma_start3A_358 = arith.constant 0 : i32
      %dma_start3A_359 = tpu.memref_slice %arg4[%add3A_355, %dma_start3A_358] : memref<819200x64xf32, #tpu.memory_space<hbm>> -> memref<128x64xf32, #tpu.memory_space<hbm>>
      tpu.enqueue_dma source(%arg11 : memref<128x64xf32, #tpu.memory_space<vmem>>) target(%dma_start3A_359 : memref<128x64xf32, #tpu.memory_space<hbm>>) target_semaphore(%arg27 : memref<!tpu.dma_semaphore, #tpu.memory_space<semaphore_mem>>)
      %mul3A_360 = arith.constant 128 : i32
      %mul3A_361 = arith.muli %add3A_346, %mul3A_360 : i32
      %add3A_362 = arith.addi %mul3A_2, %mul3A_361 : i32
      %dma_wait3A_363 = arith.constant 0 : i32
      %dma_wait3A_364 = tpu.memref_slice %arg4[%add3A_362, %dma_wait3A_363] : memref<819200x64xf32, #tpu.memory_space<hbm>> -> memref<128x64xf32, #tpu.memory_space<hbm>>
      %dma_wait3A_365 = arith.constant 0 : i32
      %dma_wait3A_366 = tpu.memref_slice %arg4[%add3A_362, %dma_wait3A_365] : memref<819200x64xf32, #tpu.memory_space<hbm>> -> memref<128x64xf32, #tpu.memory_space<hbm>>
      tpu.wait_dma2 semaphore(%arg27 : memref<!tpu.dma_semaphore, #tpu.memory_space<semaphore_mem>>) src(%arg11 : memref<128x64xf32, #tpu.memory_space<vmem>>) dst(%dma_wait3A_366 : memref<128x64xf32, #tpu.memory_space<hbm>>)
      %add3A_367 = arith.constant 8 : i32
      %add3A_368 = arith.addi %add3A_346, %add3A_367 : i32
      %mul3A_369 = arith.constant 128 : i32
      %mul3A_370 = arith.muli %add3A_368, %mul3A_369 : i32
      %dma_start3A_371 = tpu.memref_slice %arg5[%mul3A_370] : memref<25600xi32, #tpu.memory_space<vmem>> -> memref<128xi32, #tpu.memory_space<vmem>>
      %dma_start3A_372 = arith.constant 0 : i32
      %dma_start3A_373 = arith.constant 0 : i32
      %dma_start3A_374 = tpu.memref_slice %arg3[%dma_start3A_372, %dma_start3A_373] : memref<1000000x64xf32, #tpu.memory_space<hbm>> -> memref<1000000x64xf32, #tpu.memory_space<hbm>>
      tpu.enqueue_indirect_dma source(%dma_start3A_374 : memref<1000000x64xf32, #tpu.memory_space<hbm>>) target(%arg11 : memref<128x64xf32, #tpu.memory_space<vmem>>) offsets(%dma_start3A_371 : memref<128xi32, #tpu.memory_space<vmem>>) semaphore(%arg19 : memref<!tpu.dma_semaphore, #tpu.memory_space<semaphore_mem>>)
      %mul3A_375 = arith.constant 8 : i32
      %mul3A_376 = arith.muli %scan3A_182, %mul3A_375 : i32
      %add3A_377 = arith.constant 6 : i32
      %add3A_378 = arith.addi %mul3A_376, %add3A_377 : i32
      %mul3A_379 = arith.constant 128 : i32
      %mul3A_380 = arith.muli %add3A_378, %mul3A_379 : i32
      %dma_wait3A_381 = tpu.memref_slice %arg5[%mul3A_380] : memref<25600xi32, #tpu.memory_space<vmem>> -> memref<128xi32, #tpu.memory_space<vmem>>
      %dma_wait3A_382 = arith.constant 0 : i32
      %dma_wait3A_383 = arith.constant 0 : i32
      %dma_wait3A_384 = tpu.memref_slice %arg3[%dma_wait3A_382, %dma_wait3A_383] : memref<1000000x64xf32, #tpu.memory_space<hbm>> -> memref<1000000x64xf32, #tpu.memory_space<hbm>>
      tpu.wait_indirect_dma semaphore(%arg20 : memref<!tpu.dma_semaphore, #tpu.memory_space<semaphore_mem>>) src(%dma_wait3A_384 : memref<1000000x64xf32, #tpu.memory_space<hbm>>) dst(%arg12 : memref<128x64xf32, #tpu.memory_space<vmem>>)
      %mul3A_385 = arith.constant 128 : i32
      %mul3A_386 = arith.muli %add3A_378, %mul3A_385 : i32
      %add3A_387 = arith.addi %mul3A_2, %mul3A_386 : i32
      %dma_start3A_388 = arith.constant 0 : i32
      %dma_start3A_389 = tpu.memref_slice %arg4[%add3A_387, %dma_start3A_388] : memref<819200x64xf32, #tpu.memory_space<hbm>> -> memref<128x64xf32, #tpu.memory_space<hbm>>
      %dma_start3A_390 = arith.constant 0 : i32
      %dma_start3A_391 = tpu.memref_slice %arg4[%add3A_387, %dma_start3A_390] : memref<819200x64xf32, #tpu.memory_space<hbm>> -> memref<128x64xf32, #tpu.memory_space<hbm>>
      tpu.enqueue_dma source(%arg12 : memref<128x64xf32, #tpu.memory_space<vmem>>) target(%dma_start3A_391 : memref<128x64xf32, #tpu.memory_space<hbm>>) target_semaphore(%arg28 : memref<!tpu.dma_semaphore, #tpu.memory_space<semaphore_mem>>)
      %mul3A_392 = arith.constant 128 : i32
      %mul3A_393 = arith.muli %add3A_378, %mul3A_392 : i32
      %add3A_394 = arith.addi %mul3A_2, %mul3A_393 : i32
      %dma_wait3A_395 = arith.constant 0 : i32
      %dma_wait3A_396 = tpu.memref_slice %arg4[%add3A_394, %dma_wait3A_395] : memref<819200x64xf32, #tpu.memory_space<hbm>> -> memref<128x64xf32, #tpu.memory_space<hbm>>
      %dma_wait3A_397 = arith.constant 0 : i32
      %dma_wait3A_398 = tpu.memref_slice %arg4[%add3A_394, %dma_wait3A_397] : memref<819200x64xf32, #tpu.memory_space<hbm>> -> memref<128x64xf32, #tpu.memory_space<hbm>>
      tpu.wait_dma2 semaphore(%arg28 : memref<!tpu.dma_semaphore, #tpu.memory_space<semaphore_mem>>) src(%arg12 : memref<128x64xf32, #tpu.memory_space<vmem>>) dst(%dma_wait3A_398 : memref<128x64xf32, #tpu.memory_space<hbm>>)
      %add3A_399 = arith.constant 8 : i32
      %add3A_400 = arith.addi %add3A_378, %add3A_399 : i32
      %mul3A_401 = arith.constant 128 : i32
      %mul3A_402 = arith.muli %add3A_400, %mul3A_401 : i32
      %dma_start3A_403 = tpu.memref_slice %arg5[%mul3A_402] : memref<25600xi32, #tpu.memory_space<vmem>> -> memref<128xi32, #tpu.memory_space<vmem>>
      %dma_start3A_404 = arith.constant 0 : i32
      %dma_start3A_405 = arith.constant 0 : i32
      %dma_start3A_406 = tpu.memref_slice %arg3[%dma_start3A_404, %dma_start3A_405] : memref<1000000x64xf32, #tpu.memory_space<hbm>> -> memref<1000000x64xf32, #tpu.memory_space<hbm>>
      tpu.enqueue_indirect_dma source(%dma_start3A_406 : memref<1000000x64xf32, #tpu.memory_space<hbm>>) target(%arg12 : memref<128x64xf32, #tpu.memory_space<vmem>>) offsets(%dma_start3A_403 : memref<128xi32, #tpu.memory_space<vmem>>) semaphore(%arg20 : memref<!tpu.dma_semaphore, #tpu.memory_space<semaphore_mem>>)
      %mul3A_407 = arith.constant 8 : i32
      %mul3A_408 = arith.muli %scan3A_182, %mul3A_407 : i32
      %add3A_409 = arith.constant 7 : i32
      %add3A_410 = arith.addi %mul3A_408, %add3A_409 : i32
      %mul3A_411 = arith.constant 128 : i32
      %mul3A_412 = arith.muli %add3A_410, %mul3A_411 : i32
      %dma_wait3A_413 = tpu.memref_slice %arg5[%mul3A_412] : memref<25600xi32, #tpu.memory_space<vmem>> -> memref<128xi32, #tpu.memory_space<vmem>>
      %dma_wait3A_414 = arith.constant 0 : i32
      %dma_wait3A_415 = arith.constant 0 : i32
      %dma_wait3A_416 = tpu.memref_slice %arg3[%dma_wait3A_414, %dma_wait3A_415] : memref<1000000x64xf32, #tpu.memory_space<hbm>> -> memref<1000000x64xf32, #tpu.memory_space<hbm>>
      tpu.wait_indirect_dma semaphore(%arg21 : memref<!tpu.dma_semaphore, #tpu.memory_space<semaphore_mem>>) src(%dma_wait3A_416 : memref<1000000x64xf32, #tpu.memory_space<hbm>>) dst(%arg13 : memref<128x64xf32, #tpu.memory_space<vmem>>)
      %mul3A_417 = arith.constant 128 : i32
      %mul3A_418 = arith.muli %add3A_410, %mul3A_417 : i32
      %add3A_419 = arith.addi %mul3A_2, %mul3A_418 : i32
      %dma_start3A_420 = arith.constant 0 : i32
      %dma_start3A_421 = tpu.memref_slice %arg4[%add3A_419, %dma_start3A_420] : memref<819200x64xf32, #tpu.memory_space<hbm>> -> memref<128x64xf32, #tpu.memory_space<hbm>>
      %dma_start3A_422 = arith.constant 0 : i32
      %dma_start3A_423 = tpu.memref_slice %arg4[%add3A_419, %dma_start3A_422] : memref<819200x64xf32, #tpu.memory_space<hbm>> -> memref<128x64xf32, #tpu.memory_space<hbm>>
      tpu.enqueue_dma source(%arg13 : memref<128x64xf32, #tpu.memory_space<vmem>>) target(%dma_start3A_423 : memref<128x64xf32, #tpu.memory_space<hbm>>) target_semaphore(%arg29 : memref<!tpu.dma_semaphore, #tpu.memory_space<semaphore_mem>>)
      %mul3A_424 = arith.constant 128 : i32
      %mul3A_425 = arith.muli %add3A_410, %mul3A_424 : i32
      %add3A_426 = arith.addi %mul3A_2, %mul3A_425 : i32
      %dma_wait3A_427 = arith.constant 0 : i32
      %dma_wait3A_428 = tpu.memref_slice %arg4[%add3A_426, %dma_wait3A_427] : memref<819200x64xf32, #tpu.memory_space<hbm>> -> memref<128x64xf32, #tpu.memory_space<hbm>>
      %dma_wait3A_429 = arith.constant 0 : i32
      %dma_wait3A_430 = tpu.memref_slice %arg4[%add3A_426, %dma_wait3A_429] : memref<819200x64xf32, #tpu.memory_space<hbm>> -> memref<128x64xf32, #tpu.memory_space<hbm>>
      tpu.wait_dma2 semaphore(%arg29 : memref<!tpu.dma_semaphore, #tpu.memory_space<semaphore_mem>>) src(%arg13 : memref<128x64xf32, #tpu.memory_space<vmem>>) dst(%dma_wait3A_430 : memref<128x64xf32, #tpu.memory_space<hbm>>)
      %add3A_431 = arith.constant 8 : i32
      %add3A_432 = arith.addi %add3A_410, %add3A_431 : i32
      %mul3A_433 = arith.constant 128 : i32
      %mul3A_434 = arith.muli %add3A_432, %mul3A_433 : i32
      %dma_start3A_435 = tpu.memref_slice %arg5[%mul3A_434] : memref<25600xi32, #tpu.memory_space<vmem>> -> memref<128xi32, #tpu.memory_space<vmem>>
      %dma_start3A_436 = arith.constant 0 : i32
      %dma_start3A_437 = arith.constant 0 : i32
      %dma_start3A_438 = tpu.memref_slice %arg3[%dma_start3A_436, %dma_start3A_437] : memref<1000000x64xf32, #tpu.memory_space<hbm>> -> memref<1000000x64xf32, #tpu.memory_space<hbm>>
      tpu.enqueue_indirect_dma source(%dma_start3A_438 : memref<1000000x64xf32, #tpu.memory_space<hbm>>) target(%arg13 : memref<128x64xf32, #tpu.memory_space<vmem>>) offsets(%dma_start3A_435 : memref<128xi32, #tpu.memory_space<vmem>>) semaphore(%arg21 : memref<!tpu.dma_semaphore, #tpu.memory_space<semaphore_mem>>)
    }
    %scan3A_46 = arith.constant 24 : i32
    %dma_wait3A = arith.constant 24576 : i32
    %dma_wait3A_47 = tpu.memref_slice %arg5[%dma_wait3A] : memref<25600xi32, #tpu.memory_space<vmem>> -> memref<128xi32, #tpu.memory_space<vmem>>
    %dma_wait3A_48 = arith.constant 0 : i32
    %dma_wait3A_49 = arith.constant 0 : i32
    %dma_wait3A_50 = tpu.memref_slice %arg3[%dma_wait3A_48, %dma_wait3A_49] : memref<1000000x64xf32, #tpu.memory_space<hbm>> -> memref<1000000x64xf32, #tpu.memory_space<hbm>>
    tpu.wait_indirect_dma semaphore(%arg14 : memref<!tpu.dma_semaphore, #tpu.memory_space<semaphore_mem>>) src(%dma_wait3A_50 : memref<1000000x64xf32, #tpu.memory_space<hbm>>) dst(%arg6 : memref<128x64xf32, #tpu.memory_space<vmem>>)
    %add3A_51 = arith.constant 24576 : i32
    %add3A_52 = arith.addi %mul3A_2, %add3A_51 : i32
    %dma_start3A_53 = arith.constant 0 : i32
    %dma_start3A_54 = tpu.memref_slice %arg4[%add3A_52, %dma_start3A_53] : memref<819200x64xf32, #tpu.memory_space<hbm>> -> memref<128x64xf32, #tpu.memory_space<hbm>>
    %dma_start3A_55 = arith.constant 0 : i32
    %dma_start3A_56 = tpu.memref_slice %arg4[%add3A_52, %dma_start3A_55] : memref<819200x64xf32, #tpu.memory_space<hbm>> -> memref<128x64xf32, #tpu.memory_space<hbm>>
    tpu.enqueue_dma source(%arg6 : memref<128x64xf32, #tpu.memory_space<vmem>>) target(%dma_start3A_56 : memref<128x64xf32, #tpu.memory_space<hbm>>) target_semaphore(%arg22 : memref<!tpu.dma_semaphore, #tpu.memory_space<semaphore_mem>>)
    %add3A_57 = arith.constant 24576 : i32
    %add3A_58 = arith.addi %mul3A_2, %add3A_57 : i32
    %dma_wait3A_59 = arith.constant 0 : i32
    %dma_wait3A_60 = tpu.memref_slice %arg4[%add3A_58, %dma_wait3A_59] : memref<819200x64xf32, #tpu.memory_space<hbm>> -> memref<128x64xf32, #tpu.memory_space<hbm>>
    %dma_wait3A_61 = arith.constant 0 : i32
    %dma_wait3A_62 = tpu.memref_slice %arg4[%add3A_58, %dma_wait3A_61] : memref<819200x64xf32, #tpu.memory_space<hbm>> -> memref<128x64xf32, #tpu.memory_space<hbm>>
    tpu.wait_dma2 semaphore(%arg22 : memref<!tpu.dma_semaphore, #tpu.memory_space<semaphore_mem>>) src(%arg6 : memref<128x64xf32, #tpu.memory_space<vmem>>) dst(%dma_wait3A_62 : memref<128x64xf32, #tpu.memory_space<hbm>>)
    %dma_wait3A_63 = arith.constant 24704 : i32
    %dma_wait3A_64 = tpu.memref_slice %arg5[%dma_wait3A_63] : memref<25600xi32, #tpu.memory_space<vmem>> -> memref<128xi32, #tpu.memory_space<vmem>>
    %dma_wait3A_65 = arith.constant 0 : i32
    %dma_wait3A_66 = arith.constant 0 : i32
    %dma_wait3A_67 = tpu.memref_slice %arg3[%dma_wait3A_65, %dma_wait3A_66] : memref<1000000x64xf32, #tpu.memory_space<hbm>> -> memref<1000000x64xf32, #tpu.memory_space<hbm>>
    tpu.wait_indirect_dma semaphore(%arg15 : memref<!tpu.dma_semaphore, #tpu.memory_space<semaphore_mem>>) src(%dma_wait3A_67 : memref<1000000x64xf32, #tpu.memory_space<hbm>>) dst(%arg7 : memref<128x64xf32, #tpu.memory_space<vmem>>)
    %add3A_68 = arith.constant 24704 : i32
    %add3A_69 = arith.addi %mul3A_2, %add3A_68 : i32
    %dma_start3A_70 = arith.constant 0 : i32
    %dma_start3A_71 = tpu.memref_slice %arg4[%add3A_69, %dma_start3A_70] : memref<819200x64xf32, #tpu.memory_space<hbm>> -> memref<128x64xf32, #tpu.memory_space<hbm>>
    %dma_start3A_72 = arith.constant 0 : i32
    %dma_start3A_73 = tpu.memref_slice %arg4[%add3A_69, %dma_start3A_72] : memref<819200x64xf32, #tpu.memory_space<hbm>> -> memref<128x64xf32, #tpu.memory_space<hbm>>
    tpu.enqueue_dma source(%arg7 : memref<128x64xf32, #tpu.memory_space<vmem>>) target(%dma_start3A_73 : memref<128x64xf32, #tpu.memory_space<hbm>>) target_semaphore(%arg23 : memref<!tpu.dma_semaphore, #tpu.memory_space<semaphore_mem>>)
    %add3A_74 = arith.constant 24704 : i32
    %add3A_75 = arith.addi %mul3A_2, %add3A_74 : i32
    %dma_wait3A_76 = arith.constant 0 : i32
    %dma_wait3A_77 = tpu.memref_slice %arg4[%add3A_75, %dma_wait3A_76] : memref<819200x64xf32, #tpu.memory_space<hbm>> -> memref<128x64xf32, #tpu.memory_space<hbm>>
    %dma_wait3A_78 = arith.constant 0 : i32
    %dma_wait3A_79 = tpu.memref_slice %arg4[%add3A_75, %dma_wait3A_78] : memref<819200x64xf32, #tpu.memory_space<hbm>> -> memref<128x64xf32, #tpu.memory_space<hbm>>
    tpu.wait_dma2 semaphore(%arg23 : memref<!tpu.dma_semaphore, #tpu.memory_space<semaphore_mem>>) src(%arg7 : memref<128x64xf32, #tpu.memory_space<vmem>>) dst(%dma_wait3A_79 : memref<128x64xf32, #tpu.memory_space<hbm>>)
    %dma_wait3A_80 = arith.constant 24832 : i32
    %dma_wait3A_81 = tpu.memref_slice %arg5[%dma_wait3A_80] : memref<25600xi32, #tpu.memory_space<vmem>> -> memref<128xi32, #tpu.memory_space<vmem>>
    %dma_wait3A_82 = arith.constant 0 : i32
    %dma_wait3A_83 = arith.constant 0 : i32
    %dma_wait3A_84 = tpu.memref_slice %arg3[%dma_wait3A_82, %dma_wait3A_83] : memref<1000000x64xf32, #tpu.memory_space<hbm>> -> memref<1000000x64xf32, #tpu.memory_space<hbm>>
    tpu.wait_indirect_dma semaphore(%arg16 : memref<!tpu.dma_semaphore, #tpu.memory_space<semaphore_mem>>) src(%dma_wait3A_84 : memref<1000000x64xf32, #tpu.memory_space<hbm>>) dst(%arg8 : memref<128x64xf32, #tpu.memory_space<vmem>>)
    %add3A_85 = arith.constant 24832 : i32
    %add3A_86 = arith.addi %mul3A_2, %add3A_85 : i32
    %dma_start3A_87 = arith.constant 0 : i32
    %dma_start3A_88 = tpu.memref_slice %arg4[%add3A_86, %dma_start3A_87] : memref<819200x64xf32, #tpu.memory_space<hbm>> -> memref<128x64xf32, #tpu.memory_space<hbm>>
    %dma_start3A_89 = arith.constant 0 : i32
    %dma_start3A_90 = tpu.memref_slice %arg4[%add3A_86, %dma_start3A_89] : memref<819200x64xf32, #tpu.memory_space<hbm>> -> memref<128x64xf32, #tpu.memory_space<hbm>>
    tpu.enqueue_dma source(%arg8 : memref<128x64xf32, #tpu.memory_space<vmem>>) target(%dma_start3A_90 : memref<128x64xf32, #tpu.memory_space<hbm>>) target_semaphore(%arg24 : memref<!tpu.dma_semaphore, #tpu.memory_space<semaphore_mem>>)
    %add3A_91 = arith.constant 24832 : i32
    %add3A_92 = arith.addi %mul3A_2, %add3A_91 : i32
    %dma_wait3A_93 = arith.constant 0 : i32
    %dma_wait3A_94 = tpu.memref_slice %arg4[%add3A_92, %dma_wait3A_93] : memref<819200x64xf32, #tpu.memory_space<hbm>> -> memref<128x64xf32, #tpu.memory_space<hbm>>
    %dma_wait3A_95 = arith.constant 0 : i32
    %dma_wait3A_96 = tpu.memref_slice %arg4[%add3A_92, %dma_wait3A_95] : memref<819200x64xf32, #tpu.memory_space<hbm>> -> memref<128x64xf32, #tpu.memory_space<hbm>>
    tpu.wait_dma2 semaphore(%arg24 : memref<!tpu.dma_semaphore, #tpu.memory_space<semaphore_mem>>) src(%arg8 : memref<128x64xf32, #tpu.memory_space<vmem>>) dst(%dma_wait3A_96 : memref<128x64xf32, #tpu.memory_space<hbm>>)
    %dma_wait3A_97 = arith.constant 24960 : i32
    %dma_wait3A_98 = tpu.memref_slice %arg5[%dma_wait3A_97] : memref<25600xi32, #tpu.memory_space<vmem>> -> memref<128xi32, #tpu.memory_space<vmem>>
    %dma_wait3A_99 = arith.constant 0 : i32
    %dma_wait3A_100 = arith.constant 0 : i32
    %dma_wait3A_101 = tpu.memref_slice %arg3[%dma_wait3A_99, %dma_wait3A_100] : memref<1000000x64xf32, #tpu.memory_space<hbm>> -> memref<1000000x64xf32, #tpu.memory_space<hbm>>
    tpu.wait_indirect_dma semaphore(%arg17 : memref<!tpu.dma_semaphore, #tpu.memory_space<semaphore_mem>>) src(%dma_wait3A_101 : memref<1000000x64xf32, #tpu.memory_space<hbm>>) dst(%arg9 : memref<128x64xf32, #tpu.memory_space<vmem>>)
    %add3A_102 = arith.constant 24960 : i32
    %add3A_103 = arith.addi %mul3A_2, %add3A_102 : i32
    %dma_start3A_104 = arith.constant 0 : i32
    %dma_start3A_105 = tpu.memref_slice %arg4[%add3A_103, %dma_start3A_104] : memref<819200x64xf32, #tpu.memory_space<hbm>> -> memref<128x64xf32, #tpu.memory_space<hbm>>
    %dma_start3A_106 = arith.constant 0 : i32
    %dma_start3A_107 = tpu.memref_slice %arg4[%add3A_103, %dma_start3A_106] : memref<819200x64xf32, #tpu.memory_space<hbm>> -> memref<128x64xf32, #tpu.memory_space<hbm>>
    tpu.enqueue_dma source(%arg9 : memref<128x64xf32, #tpu.memory_space<vmem>>) target(%dma_start3A_107 : memref<128x64xf32, #tpu.memory_space<hbm>>) target_semaphore(%arg25 : memref<!tpu.dma_semaphore, #tpu.memory_space<semaphore_mem>>)
    %add3A_108 = arith.constant 24960 : i32
    %add3A_109 = arith.addi %mul3A_2, %add3A_108 : i32
    %dma_wait3A_110 = arith.constant 0 : i32
    %dma_wait3A_111 = tpu.memref_slice %arg4[%add3A_109, %dma_wait3A_110] : memref<819200x64xf32, #tpu.memory_space<hbm>> -> memref<128x64xf32, #tpu.memory_space<hbm>>
    %dma_wait3A_112 = arith.constant 0 : i32
    %dma_wait3A_113 = tpu.memref_slice %arg4[%add3A_109, %dma_wait3A_112] : memref<819200x64xf32, #tpu.memory_space<hbm>> -> memref<128x64xf32, #tpu.memory_space<hbm>>
    tpu.wait_dma2 semaphore(%arg25 : memref<!tpu.dma_semaphore, #tpu.memory_space<semaphore_mem>>) src(%arg9 : memref<128x64xf32, #tpu.memory_space<vmem>>) dst(%dma_wait3A_113 : memref<128x64xf32, #tpu.memory_space<hbm>>)
    %dma_wait3A_114 = arith.constant 25088 : i32
    %dma_wait3A_115 = tpu.memref_slice %arg5[%dma_wait3A_114] : memref<25600xi32, #tpu.memory_space<vmem>> -> memref<128xi32, #tpu.memory_space<vmem>>
    %dma_wait3A_116 = arith.constant 0 : i32
    %dma_wait3A_117 = arith.constant 0 : i32
    %dma_wait3A_118 = tpu.memref_slice %arg3[%dma_wait3A_116, %dma_wait3A_117] : memref<1000000x64xf32, #tpu.memory_space<hbm>> -> memref<1000000x64xf32, #tpu.memory_space<hbm>>
    tpu.wait_indirect_dma semaphore(%arg18 : memref<!tpu.dma_semaphore, #tpu.memory_space<semaphore_mem>>) src(%dma_wait3A_118 : memref<1000000x64xf32, #tpu.memory_space<hbm>>) dst(%arg10 : memref<128x64xf32, #tpu.memory_space<vmem>>)
    %add3A_119 = arith.constant 25088 : i32
    %add3A_120 = arith.addi %mul3A_2, %add3A_119 : i32
    %dma_start3A_121 = arith.constant 0 : i32
    %dma_start3A_122 = tpu.memref_slice %arg4[%add3A_120, %dma_start3A_121] : memref<819200x64xf32, #tpu.memory_space<hbm>> -> memref<128x64xf32, #tpu.memory_space<hbm>>
    %dma_start3A_123 = arith.constant 0 : i32
    %dma_start3A_124 = tpu.memref_slice %arg4[%add3A_120, %dma_start3A_123] : memref<819200x64xf32, #tpu.memory_space<hbm>> -> memref<128x64xf32, #tpu.memory_space<hbm>>
    tpu.enqueue_dma source(%arg10 : memref<128x64xf32, #tpu.memory_space<vmem>>) target(%dma_start3A_124 : memref<128x64xf32, #tpu.memory_space<hbm>>) target_semaphore(%arg26 : memref<!tpu.dma_semaphore, #tpu.memory_space<semaphore_mem>>)
    %add3A_125 = arith.constant 25088 : i32
    %add3A_126 = arith.addi %mul3A_2, %add3A_125 : i32
    %dma_wait3A_127 = arith.constant 0 : i32
    %dma_wait3A_128 = tpu.memref_slice %arg4[%add3A_126, %dma_wait3A_127] : memref<819200x64xf32, #tpu.memory_space<hbm>> -> memref<128x64xf32, #tpu.memory_space<hbm>>
    %dma_wait3A_129 = arith.constant 0 : i32
    %dma_wait3A_130 = tpu.memref_slice %arg4[%add3A_126, %dma_wait3A_129] : memref<819200x64xf32, #tpu.memory_space<hbm>> -> memref<128x64xf32, #tpu.memory_space<hbm>>
    tpu.wait_dma2 semaphore(%arg26 : memref<!tpu.dma_semaphore, #tpu.memory_space<semaphore_mem>>) src(%arg10 : memref<128x64xf32, #tpu.memory_space<vmem>>) dst(%dma_wait3A_130 : memref<128x64xf32, #tpu.memory_space<hbm>>)
    %dma_wait3A_131 = arith.constant 25216 : i32
    %dma_wait3A_132 = tpu.memref_slice %arg5[%dma_wait3A_131] : memref<25600xi32, #tpu.memory_space<vmem>> -> memref<128xi32, #tpu.memory_space<vmem>>
    %dma_wait3A_133 = arith.constant 0 : i32
    %dma_wait3A_134 = arith.constant 0 : i32
    %dma_wait3A_135 = tpu.memref_slice %arg3[%dma_wait3A_133, %dma_wait3A_134] : memref<1000000x64xf32, #tpu.memory_space<hbm>> -> memref<1000000x64xf32, #tpu.memory_space<hbm>>
    tpu.wait_indirect_dma semaphore(%arg19 : memref<!tpu.dma_semaphore, #tpu.memory_space<semaphore_mem>>) src(%dma_wait3A_135 : memref<1000000x64xf32, #tpu.memory_space<hbm>>) dst(%arg11 : memref<128x64xf32, #tpu.memory_space<vmem>>)
    %add3A_136 = arith.constant 25216 : i32
    %add3A_137 = arith.addi %mul3A_2, %add3A_136 : i32
    %dma_start3A_138 = arith.constant 0 : i32
    %dma_start3A_139 = tpu.memref_slice %arg4[%add3A_137, %dma_start3A_138] : memref<819200x64xf32, #tpu.memory_space<hbm>> -> memref<128x64xf32, #tpu.memory_space<hbm>>
    %dma_start3A_140 = arith.constant 0 : i32
    %dma_start3A_141 = tpu.memref_slice %arg4[%add3A_137, %dma_start3A_140] : memref<819200x64xf32, #tpu.memory_space<hbm>> -> memref<128x64xf32, #tpu.memory_space<hbm>>
    tpu.enqueue_dma source(%arg11 : memref<128x64xf32, #tpu.memory_space<vmem>>) target(%dma_start3A_141 : memref<128x64xf32, #tpu.memory_space<hbm>>) target_semaphore(%arg27 : memref<!tpu.dma_semaphore, #tpu.memory_space<semaphore_mem>>)
    %add3A_142 = arith.constant 25216 : i32
    %add3A_143 = arith.addi %mul3A_2, %add3A_142 : i32
    %dma_wait3A_144 = arith.constant 0 : i32
    %dma_wait3A_145 = tpu.memref_slice %arg4[%add3A_143, %dma_wait3A_144] : memref<819200x64xf32, #tpu.memory_space<hbm>> -> memref<128x64xf32, #tpu.memory_space<hbm>>
    %dma_wait3A_146 = arith.constant 0 : i32
    %dma_wait3A_147 = tpu.memref_slice %arg4[%add3A_143, %dma_wait3A_146] : memref<819200x64xf32, #tpu.memory_space<hbm>> -> memref<128x64xf32, #tpu.memory_space<hbm>>
    tpu.wait_dma2 semaphore(%arg27 : memref<!tpu.dma_semaphore, #tpu.memory_space<semaphore_mem>>) src(%arg11 : memref<128x64xf32, #tpu.memory_space<vmem>>) dst(%dma_wait3A_147 : memref<128x64xf32, #tpu.memory_space<hbm>>)
    %dma_wait3A_148 = arith.constant 25344 : i32
    %dma_wait3A_149 = tpu.memref_slice %arg5[%dma_wait3A_148] : memref<25600xi32, #tpu.memory_space<vmem>> -> memref<128xi32, #tpu.memory_space<vmem>>
    %dma_wait3A_150 = arith.constant 0 : i32
    %dma_wait3A_151 = arith.constant 0 : i32
    %dma_wait3A_152 = tpu.memref_slice %arg3[%dma_wait3A_150, %dma_wait3A_151] : memref<1000000x64xf32, #tpu.memory_space<hbm>> -> memref<1000000x64xf32, #tpu.memory_space<hbm>>
    tpu.wait_indirect_dma semaphore(%arg20 : memref<!tpu.dma_semaphore, #tpu.memory_space<semaphore_mem>>) src(%dma_wait3A_152 : memref<1000000x64xf32, #tpu.memory_space<hbm>>) dst(%arg12 : memref<128x64xf32, #tpu.memory_space<vmem>>)
    %add3A_153 = arith.constant 25344 : i32
    %add3A_154 = arith.addi %mul3A_2, %add3A_153 : i32
    %dma_start3A_155 = arith.constant 0 : i32
    %dma_start3A_156 = tpu.memref_slice %arg4[%add3A_154, %dma_start3A_155] : memref<819200x64xf32, #tpu.memory_space<hbm>> -> memref<128x64xf32, #tpu.memory_space<hbm>>
    %dma_start3A_157 = arith.constant 0 : i32
    %dma_start3A_158 = tpu.memref_slice %arg4[%add3A_154, %dma_start3A_157] : memref<819200x64xf32, #tpu.memory_space<hbm>> -> memref<128x64xf32, #tpu.memory_space<hbm>>
    tpu.enqueue_dma source(%arg12 : memref<128x64xf32, #tpu.memory_space<vmem>>) target(%dma_start3A_158 : memref<128x64xf32, #tpu.memory_space<hbm>>) target_semaphore(%arg28 : memref<!tpu.dma_semaphore, #tpu.memory_space<semaphore_mem>>)
    %add3A_159 = arith.constant 25344 : i32
    %add3A_160 = arith.addi %mul3A_2, %add3A_159 : i32
    %dma_wait3A_161 = arith.constant 0 : i32
    %dma_wait3A_162 = tpu.memref_slice %arg4[%add3A_160, %dma_wait3A_161] : memref<819200x64xf32, #tpu.memory_space<hbm>> -> memref<128x64xf32, #tpu.memory_space<hbm>>
    %dma_wait3A_163 = arith.constant 0 : i32
    %dma_wait3A_164 = tpu.memref_slice %arg4[%add3A_160, %dma_wait3A_163] : memref<819200x64xf32, #tpu.memory_space<hbm>> -> memref<128x64xf32, #tpu.memory_space<hbm>>
    tpu.wait_dma2 semaphore(%arg28 : memref<!tpu.dma_semaphore, #tpu.memory_space<semaphore_mem>>) src(%arg12 : memref<128x64xf32, #tpu.memory_space<vmem>>) dst(%dma_wait3A_164 : memref<128x64xf32, #tpu.memory_space<hbm>>)
    %dma_wait3A_165 = arith.constant 25472 : i32
    %dma_wait3A_166 = tpu.memref_slice %arg5[%dma_wait3A_165] : memref<25600xi32, #tpu.memory_space<vmem>> -> memref<128xi32, #tpu.memory_space<vmem>>
    %dma_wait3A_167 = arith.constant 0 : i32
    %dma_wait3A_168 = arith.constant 0 : i32
    %dma_wait3A_169 = tpu.memref_slice %arg3[%dma_wait3A_167, %dma_wait3A_168] : memref<1000000x64xf32, #tpu.memory_space<hbm>> -> memref<1000000x64xf32, #tpu.memory_space<hbm>>
    tpu.wait_indirect_dma semaphore(%arg21 : memref<!tpu.dma_semaphore, #tpu.memory_space<semaphore_mem>>) src(%dma_wait3A_169 : memref<1000000x64xf32, #tpu.memory_space<hbm>>) dst(%arg13 : memref<128x64xf32, #tpu.memory_space<vmem>>)
    %add3A_170 = arith.constant 25472 : i32
    %add3A_171 = arith.addi %mul3A_2, %add3A_170 : i32
    %dma_start3A_172 = arith.constant 0 : i32
    %dma_start3A_173 = tpu.memref_slice %arg4[%add3A_171, %dma_start3A_172] : memref<819200x64xf32, #tpu.memory_space<hbm>> -> memref<128x64xf32, #tpu.memory_space<hbm>>
    %dma_start3A_174 = arith.constant 0 : i32
    %dma_start3A_175 = tpu.memref_slice %arg4[%add3A_171, %dma_start3A_174] : memref<819200x64xf32, #tpu.memory_space<hbm>> -> memref<128x64xf32, #tpu.memory_space<hbm>>
    tpu.enqueue_dma source(%arg13 : memref<128x64xf32, #tpu.memory_space<vmem>>) target(%dma_start3A_175 : memref<128x64xf32, #tpu.memory_space<hbm>>) target_semaphore(%arg29 : memref<!tpu.dma_semaphore, #tpu.memory_space<semaphore_mem>>)
    %add3A_176 = arith.constant 25472 : i32
    %add3A_177 = arith.addi %mul3A_2, %add3A_176 : i32
    %dma_wait3A_178 = arith.constant 0 : i32
    %dma_wait3A_179 = tpu.memref_slice %arg4[%add3A_177, %dma_wait3A_178] : memref<819200x64xf32, #tpu.memory_space<hbm>> -> memref<128x64xf32, #tpu.memory_space<hbm>>
    %dma_wait3A_180 = arith.constant 0 : i32
    %dma_wait3A_181 = tpu.memref_slice %arg4[%add3A_177, %dma_wait3A_180] : memref<819200x64xf32, #tpu.memory_space<hbm>> -> memref<128x64xf32, #tpu.memory_space<hbm>>
    tpu.wait_dma2 semaphore(%arg29 : memref<!tpu.dma_semaphore, #tpu.memory_space<semaphore_mem>>) src(%arg13 : memref<128x64xf32, #tpu.memory_space<vmem>>) dst(%dma_wait3A_181 : memref<128x64xf32, #tpu.memory_space<hbm>>)
    return
  }
}

</mosaic_0001>

<sc_bundles>
// kernel: kernel.3.cloned.1.call-start
scs
__scs_entry_jumppad:
0x0: {  	(pc) =	sbr.rel $0x88, $3  }
0x1: {  	(tag) =	ssettag $0x0;
	lr =	simm.s32 $0x1  }
0x2: {  	[smem:$0x3F9F] =	sst lr;
	_ =	strace $0xD0000000  }
0x3: {  	_ = 	snop  }
0x4: {  	_ = 	snop  }
0x5: {  	_ = 	snop  }
0x6: {  	_ = 	snop  }
0x7: {  	_ = 	snop  }
__scs_overlays_trampoline_lowered:
0x8: {  	[smem:$0x3FAE] =	sst s0  }
0x9: {  	[smem:$0x3FAF] =	sst s1  }
0xa: {  	[smem:$0x3FB0] =	sst s2  }
0xb: {  	[smem:$0x3FB1] =	sst s3  }
0xc: {  	[smem:$0x3FB2] =	sst s4  }
0xd: {  	[smem:$0x3FB3] =	sst s5  }
0xe: {  	[smem:$0x3FB4] =	sst s6  }
0xf: {  	[smem:$0x3FB5] =	sst s7  }
0x10: {  	[smem:$0x3FB6] =	sst s8  }
0x11: {  	[smem:$0x3FB7] =	sst s9;
	s0 =	simm.s32 @!p0 $0x0  }
0x12: {  	s1 =	sld [smem:$0x3F9D];
	s0 =	simm.s32 @p0 $0x1  }
0x13: {  	[smem:$0x3FB8] =	sst s0;
	s0 =	simm.s32 @!p1 $0x0  }
0x14: {  	s2 =	sld [smem:$0x3F9C];
	s0 =	simm.s32 @p1 $0x1  }
0x15: {  	[smem:$0x3FB9] =	sst s0;
	s0 =	simm.s32 @!p2 $0x0  }
0x16: {  	s3 =	sld [smem:$0x3FDB];
	s0 =	simm.s32 @p2 $0x1  }
0x17: {  	s4 =	simm.s32 $0x1BF5;
	[smem:$0x3FBB] =	sst s0  }
0x18: {  	s0 =	sld [smem:$0x3F9E];
	_ =	swait.ge [sflag:s4], $0x0  }
0x19: {  	s7 =	sld [smem:$0x3F9F]  }
0x1a: {  	s8 =	sadd.s32 $0xFFFFE003, lr  }
0x1b: {  	s9 =	sadd.s32 $0xFFFFFEF7, lr;
	s5 =	simm.s32 $0xFFFFFFFF;
	p2 =	slt.u32 s8, $0xFFFFF086  }
0x1c: {  	p1 =	slt.u32 s9, $0xF7A;
	s5 =	simm.s32 @!p2 $0x0  }
0x1d: {  	s5 =	simm.s32 @p1 $0x1;
	p0 =	seq.s32 s7, s2  }
0x1e: {  	s7 =	smul.u32 @!p0 $0xF7A, s2;
	p2 =	seq.s32 @!p0 s5, $0x0  }
0x1f: {  	s9 =	smul.u32 $0xF7A, s1;
	s8 =	simm.s32 @!p0 $0x1BF5;
	p2 =	por !p2, p0  }
0x20: {  	[sflag:s8] =	ssyncset.s32 @!p0 $0xFFFFF086;
	s6 =	sadd.s32 @!p0 s3, s7;
	s7 =	simm.s32 @!p0 $0x108  }
0x21: {  	s3 =	sadd.s32 s3, s9;
	s6 =	sadd.s32 @!p0 $0x88, s6;
	s7 =	simm.s32 @p2 $0x1082  }
0x22: {  	[simem:s7], [sflag:s8] =	dma.local @!p0 [hbm:s6], $0xF7A  }
0x23: {  	s9 =	sor.u32 $0xD0000000, s2;
	s6 =	simm.s32 $0x108;
	_ =	swait.ge @!p0 [sflag:s8], $0x0  }
0x24: {  	s3 =	sadd.s32 $0x88, s3;
	s6 =	simm.s32 @!p1 $0x1082;
	[sflag:s4] =	ssyncset.s32 $0xFFFFF086  }
0x25: {  	[simem:s6], [sflag:s4] =	dma.local [hbm:s3], $0xF7A  }
0x26: {  	[smem:$0x3F9F] =	sst s1;
	(tag) =	ssettag s2;
	_ =	strace s9  }
0x27: {  	s1 =	sld [smem:$0x3FAF]  }
0x28: {  	s2 =	sld [smem:$0x3FB0]  }
0x29: {  	s4 =	sld [smem:$0x3FB2]  }
0x2a: {  	p0 =	seq.s32 s5, $0x0;
	s5 =	sld [smem:$0x3FB3]  }
0x2b: {  	s6 =	sld [smem:$0x3FB4]  }
0x2c: {  	s7 =	sld [smem:$0x3FB5]  }
0x2d: {  	s3 =	simm.s32 $0x108;
	s8 =	sld [smem:$0x3FB6]  }
0x2e: {  	s3 =	simm.s32 @!p0 $0x1082;
	s9 =	sld [smem:$0x3FB7]  }
0x2f: {  	lr =	sadd.s32 s0, s3;
	s0 =	sld [smem:$0x3FAE]  }
0x30: {  	s3 =	sld [smem:$0x3FB1]  }
0x31: {  	[smem:$0x3FBA] =	sst s10  }
0x32: {  	s10 =	sld [smem:$0x3FB8];
	_ =	sdelay $0x3  }
0x33: {  	p0 =	seq.s32 s10, $0x1;
	s10 =	sld [smem:$0x3FBA];
	_ =	sdelay $0x3  }
0x34: {  	[smem:$0x3FBA] =	sst s10  }
0x35: {  	s10 =	sld [smem:$0x3FB9];
	_ =	sdelay $0x3  }
0x36: {  	p1 =	seq.s32 s10, $0x1;
	s10 =	sld [smem:$0x3FBA];
	_ =	sdelay $0x3  }
0x37: {  	[smem:$0x3FBA] =	sst s10  }
0x38: {  	s10 =	sld [smem:$0x3FBB]  }
0x39: {  	_ = 	snop;
	(pc) =	sbr.ind lr, $3  }
0x3a: {  	_ = 	snop  }
0x3b: {  	_ = 	snop  }
0x3c: {  	p2 =	seq.s32 s10, $0x1;
	s10 =	sld [smem:$0x3FBA]  }
0x3d: {  	_ =	shalt  }
0x3e: {  	_ =	shalt  }
0x3f: {  	_ =	shalt  }
0x40: {  	_ =	shalt  }
0x41: {  	_ =	shalt  }
0x42: {  	_ =	shalt  }
0x43: {  	_ =	shalt  }
0x44: {  	_ =	shalt  }
0x45: {  	_ =	shalt  }
0x46: {  	_ =	shalt  }
0x47: {  	_ =	shalt  }
0x48: {  	_ =	shalt  }
0x49: {  	_ =	shalt  }
0x4a: {  	_ =	shalt  }
0x4b: {  	_ =	shalt  }
0x4c: {  	_ =	shalt  }
0x4d: {  	_ =	shalt  }
0x4e: {  	_ =	shalt  }
0x4f: {  	_ =	shalt  }
0x50: {  	_ =	shalt  }
0x51: {  	_ =	shalt  }
0x52: {  	_ =	shalt  }
0x53: {  	_ =	shalt  }
0x54: {  	_ =	shalt  }
0x55: {  	_ =	shalt  }
0x56: {  	_ =	shalt  }
0x57: {  	_ =	shalt  }
0x58: {  	_ =	shalt  }
0x59: {  	_ =	shalt  }
0x5a: {  	_ =	shalt  }
0x5b: {  	_ =	shalt  }
0x5c: {  	_ =	shalt  }
0x5d: {  	_ =	shalt  }
0x5e: {  	_ =	shalt  }
0x5f: {  	_ =	shalt  }
0x60: {  	_ =	shalt  }
0x61: {  	_ =	shalt  }
0x62: {  	_ =	shalt  }
0x63: {  	_ =	shalt  }
0x64: {  	_ =	shalt  }
0x65: {  	_ =	shalt  }
0x66: {  	_ =	shalt  }
0x67: {  	_ =	shalt  }
0x68: {  	_ =	shalt  }
0x69: {  	_ =	shalt  }
0x6a: {  	_ =	shalt  }
0x6b: {  	_ =	shalt  }
0x6c: {  	_ =	shalt  }
0x6d: {  	_ =	shalt  }
0x6e: {  	_ =	shalt  }
0x6f: {  	_ =	shalt  }
0x70: {  	_ =	shalt  }
0x71: {  	_ =	shalt  }
0x72: {  	_ =	shalt  }
0x73: {  	_ =	shalt  }
0x74: {  	_ =	shalt  }
0x75: {  	_ =	shalt  }
0x76: {  	_ =	shalt  }
0x77: {  	_ =	shalt  }
0x78: {  	_ =	shalt  }
0x79: {  	_ =	shalt  }
0x7a: {  	_ =	shalt  }
0x7b: {  	_ =	shalt  }
0x7c: {  	_ =	shalt  }
0x7d: {  	_ =	shalt  }
0x7e: {  	_ =	shalt  }
0x7f: {  	_ =	shalt  }
0x80: {  	_ =	shalt  }
0x81: {  	_ =	shalt  }
0x82: {  	_ =	shalt  }
0x83: {  	_ =	shalt  }
0x84: {  	_ =	shalt  }
0x85: {  	_ =	shalt  }
0x86: {  	_ =	shalt  }
0x87: {  	_ =	shalt  }
.Lfunc_end0:
.L_simem_size_0:
called_computation.1_lowered:
.L_overlay_start_0:
0x88: {  	s2 =	sld [smem:$0x3FD9]  }
0x89: {  	s3 =	sld [smem:$0x3FFE];
	_ =	sdelay $0x1  }
0x8a: {  	s1 =	srdreg.scid  }
0x8b: {  	s0 =	sand.u32 $0x1, s1  }
0x8c: {  	s17 =	sshll.u32 s0, $0xA;
	s2 =	sadd.s32 s3, s2  }
0x8d: {  	s2 =	sadd.s32 s2, s17  }
0x8e: {  	[smem:$0x3FC6] =	sst s2  }
0x8f: {  	_ = 	snop  }
0x90: {  	s2 =	sld [smem:$0x3FD0];
	(tm) =	ssettm $0x1  }
0x91: {  	s18 =	sld [smem:$0x3FFB];
	_ =	sdelay $0x3  }
0x92: {  	_ =	strace s18  }
0x93: {  	s3 =	sld [smem:$0x3FFC];
	_ =	sdelay $0x3  }
0x94: {  	_ =	strace s3  }
0x95: {  	s3 =	sld [smem:$0x3FFD];
	_ =	sdelay $0x3  }
0x96: {  	_ =	strace s3  }
0x97: {  	_ =	strace $0x8FFFFFFF  }
0x98: {  	s19 =	sld [smem:$0x3FDB];
	_ =	sdelay $0x1  }
0x99: {  	s4 =	simm.s32 $_scs_section_size  }
0x9a: {  	s5 =	simm.s32 $_size__tile_overlayer_lowered;
	s6 =	simm.s32 $_tile_overlayer_lowered  }
0x9b: {  	s22 =	simm.s32 $0x1BFF;
	s21 =	sshll.u32 s6, $0x1;
	s3 =	sadd.s32 s4, s19  }
0x9c: {  	s7 =	simm.s32 $0x0;
	s20 =	sshll.u32 s5, $0x1;
	s5 =	sadd.s32 s21, s3  }
0x9d: {  	[timem:s7], [sflag:s22] =	dma.local [hbm:s5], s20  }
0x9e: {  	_ =	swait.ge [sflag:s22], s20  }
0x9f: {  	s4 =	ssub.s32 $0x0, s20;
	[sflag:s22] =	ssyncset.done $0x0  }
0xa0: {  	[sflag:s22] =	ssyncadd.s32 s4;
	_ =	sdelay $0x1  }
0xa1: {  	s23 =	simm.s32 $0x1B8B  }
0xa2: {  	_ =	swait.ge [sflag:s23], $0x1  }
0xa3: {  	[sflag:s23] =	ssyncset.done $0x0  }
0xa4: {  	s25 =	simm.s32 $0x1B8E;
	s24 =	sld [smem:$0x3FFE];
	[sflag:s23] =	ssyncadd.s32 $0xFFFFFFFF  }
0xa5: {  	s26 =	simm.s32 $execute0_lowered;
	[smem:$0x3FD2] =	sst s25  }
0xa6: {  	s5 =	sshll.u32 s26, $0x1;
	_ =	strace $0x80000046;
	[dreg:$0x1] =	wrdreg $0xFFFFFFFF  }
0xa7: {  	s28 =	simm.s32 $_size_execute0_lowered;
	s3 =	sadd.s32 s3, s5;
	[dreg:$0x0] =	wrdreg $0x0  }
0xa8: {  	s5 =	sshll.u32 s28, $0x1;
	[dreg:$0x2] =	wrdreg s3  }
0xa9: {  	[dreg:$0x3] =	wrdreg s5  }
0xaa: {  	[dreg:$0x4] =	wrdreg $0xC0  }
0xab: {  	_ =	task [dreg:s7], $0x5FFFF  }
0xac: {  	[dreg:$0x1] =	wrdreg $0xFFFFFFFF  }
0xad: {  	[dreg:$0x0] =	wrdreg $0x60  }
0xae: {  	[dreg:$0x2] =	wrdreg s24  }
0xaf: {  	[dreg:$0x3] =	wrdreg s2  }
0xb0: {  	[dreg:$0x4] =	wrdreg $0x9  }
0xb1: {  	_ =	task.clear_ibuf [dreg:s7], $0x5FFFF;
	_ =	strace $0x90000046  }
0xb2: {  	s29 =	simm.s32 $0x9;
	_ =	strace $0x80000048  }
0xb3: {  	_ =	swait.ge [sflag:s29], $0x1  }
0xb4: {  	[sflag:s29] =	ssyncadd.s32 $0xFFFFFFFF  }
0xb5: {  	_ =	strace $0x90000048  }
0xb6: {  	_ =	sfence  }
0xb7: {  	s30 =	sld [smem:$0x0];
	_ =	sdelay $0x2  }
0xb8: {  	s31 =	sshll.u32 s1, $0xD;
	s1 =	sshrl.u32 s1, $0x2  }
0xb9: {  	s3 =	sand.u32 $0x4000, s31;
	s1 =	sadd.s32 s1, s30  }
0xba: {  	s0 =	sor.u32 s3, s0;
	s1 =	sshll.u32 s1, $0x11  }
0xbb: {  	s0 =	sor.u32 s1, s0  }
0xbc: {  	s0 =	sadd.s32 $0x8F2B, s0  }
0xbd: {  	[sflag:s0] =	ssyncadd.remote.s32 $0x1  }
0xbe: {  	_ =	sfence.sel $0xFFFF  }
0xbf: {  	[dreg:$0x0] =	wrdreg $0xFFFFFFFF;
	(pc) =	sbr.abs _section_cstart, $3  }
0xc0: {  	[dreg:$0x1] =	wrdreg $0xFFFFFFFF  }
0xc1: {  	_ =	task.clear_ibuf [dreg:s7], $0x2FFFF;
	_ =	strace $0x9FFFFFFF  }
0xc2: {  	(tm) =	ssettm $0x7FFFFFFF  }
0xc3: {  	_ =	shalt  }
tec
execute0_lowered:
.L_overlay_start_1:
0x0: {  	(tag) =	ssettag $0x1  }
0x1: {  	s9 =	stileid.u32  }
0x2: {  	s0 =	srdreg.scid;
	s6 =	smul.u32 $0x320000, s9  }
0x3: {  	s0 =	sand.u32 $0x1, s0;
	s2 =	sshll.u32 s9, $0x1;
	s9 =	smul.u32 $0xC800, s9  }
0x4: {  	s1 =	rddreg [dreg:$0x0];
	s7 =	smul.u32 $0x190000, s0  }
0x5: {  	s5 =	sor.u32 s0, s2;
	s8 =	ssub.s32 $0x2, s0;
	s0 =	smul.u32 $0x6400, s0  }
0x6: {  	s4 =	rddreg [dreg:$0x1];
	s2 =	simm.s32 $0x0;
	s3 =	smul.u32 $0x6400, s5  }
0x7: {  	[smem:$0x7FF] =	sst s2;
	s11 =	sshrl.u32 s8, $0x1;
	s5 =	smul.u32 $0x190000, s5  }
0x8: {  	_ =	strace $0x80000047;
	s13 =	ssub.s32 s8, s11;
	s6 =	sadd.s32 s7, s6  }
0x9: {  	s0 =	sadd.s32 s0, s9;
	s3 =	sshrl.u32 s3, $0x3;
	s6 =	sshrl.u32 s6, $0x3  }
0xa: {  	s5 =	sshrl.u32 s5, $0x3;
	s10 =	sadd.s32 s3, s1;
	s6 =	sadd.s32 s6, s4  }
0xb: {  	s3 =	sadd.s32 $0xF42E00, s1;
	s1 =	smax.u32 s13, $0x1;
	[dreg:$0x3] =	wrdreg s6  }
0xc: {  	s5 =	sadd.s32 s4, s5;
	s14 =	sadd.s32 $0xA00, s10;
	[dreg:$0x14] =	wrdreg s1  }
0xd: {  	s0 =	sshll.u32 s0, $0x3;
	s15 =	sadd.s32 $0x30000, s5;
	[dreg:$0xb] =	wrdreg s14  }
0xe: {  	s0 =	sadd.s32 s0, s4;
	s17 =	sadd.s32 $0x30400, s5;
	[dreg:$0xc] =	wrdreg s15  }
0xf: {  	s16 =	sadd.s32 $0x1C00, s0;
	[dreg:$0xd] =	wrdreg s17  }
0x10: {  	s19 =	sadd.s32 $0x30800, s5;
	[dreg:$0x4] =	wrdreg s16  }
0x11: {  	s18 =	sadd.s32 $0x1800, s0;
	[dreg:$0xe] =	wrdreg s19  }
0x12: {  	s21 =	sadd.s32 $0x30C00, s5;
	[dreg:$0x5] =	wrdreg s18  }
0x13: {  	s29 =	simm.s32 $0x5;
	s20 =	sadd.s32 $0x1400, s0;
	[dreg:$0xf] =	wrdreg s21  }
0x14: {  	s31 =	simm.s32 $0x12400;
	s23 =	sadd.s32 $0x31000, s5;
	[dreg:$0x6] =	wrdreg s20  }
0x15: {  	s7 =	simm.s32 $0x7;
	s22 =	sadd.s32 $0x1000, s0;
	[dreg:$0x10] =	wrdreg s23  }
0x16: {  	s8 =	simm.s32 $0xF;
	s25 =	sadd.s32 $0x31400, s5;
	[dreg:$0x7] =	wrdreg s22  }
0x17: {  	s9 =	simm.s32 $0x8;
	s24 =	sadd.s32 $0xC00, s0;
	[dreg:$0x11] =	wrdreg s25  }
0x18: {  	s4 =	simm.s32 $0xD;
	s28 =	sadd.s32 $0x31800, s5;
	[dreg:$0x8] =	wrdreg s24  }
0x19: {  	s26 =	sadd.s32 $0x800, s0;
	s0 =	sadd.s32 $0x400, s0;
	[dreg:$0x12] =	wrdreg s28  }
0x1a: {  	s30 =	sadd.s32 $0x31C00, s5;
	s5 =	simm.s32 $0x6;
	[dreg:$0x9] =	wrdreg s26  }
0x1b: {  	s6 =	simm.s32 $0xE;
	s10 =	simm.s32 $0x10;
	[dreg:$0x13] =	wrdreg s30  }
0x1c: {  	s1 =	simm.s32 $0x0;
	[dreg:$0xa] =	wrdreg s0;
	s15 =	simm.s32 $0x80  }
0x1d: {  	s0 =	simm.s32 $0x2;
	s18 =	simm.s32 $0xA;
	s20 =	simm.s32 $0x3  }
0x1e: {  	s22 =	simm.s32 $0xB;
	s24 =	simm.s32 $0x4;
	s26 =	simm.s32 $0xC  }
.LBB2_1:
0x1f: {  	[dreg:$0x15] =	wrdreg s1  }
0x20: {  	s11 =	rddreg [dreg:$0xb];
	s21 =	simm.s32 $0x11  }
0x21: {  	[tilespmem:s2], [sflag:$0x11] =	stream.linear.gather [hbm4b:s11+s2], $0x6400, $0x38;
	[tilespmem:$0x16400] =	vst v63  }
0x22: {  	_ =	swait.ge [sflag:s21], $0x6400  }
0x23: {  	[sflag:s21] =	ssyncset.done $0x0  }
0x24: {  	s12 =	simm.s32 $0x6400;
	[sflag:s21] =	ssyncadd.s32 $0xFFFF9C00  }
0x25: {  	[tilespmem:s12], [sflag:$0x1] =	stream.indirect.gather [hbm4b:s3+s15], $0x40, s2, s15, $0xb8;
	[tilespmem:$0x16400] =	vst v63  }
0x26: {  	s13 =	simm.s32 $0x8400  }
0x27: {  	[tilespmem:s13], [sflag:$0x2] =	stream.indirect.gather [hbm4b:s3+s15], $0x40, s15, s15, $0xb8;
	[tilespmem:$0x16400] =	vst v63  }
0x28: {  	s23 =	simm.s32 $0x100;
	s14 =	simm.s32 $0xA400  }
0x29: {  	[tilespmem:s14], [sflag:$0x3] =	stream.indirect.gather [hbm4b:s3+s15], $0x40, s23, s15, $0xb8;
	[tilespmem:$0x16400] =	vst v63  }
0x2a: {  	s25 =	simm.s32 $0x180;
	s16 =	simm.s32 $0xC400  }
0x2b: {  	[tilespmem:s16], [sflag:$0x4] =	stream.indirect.gather [hbm4b:s3+s15], $0x40, s25, s15, $0xb8;
	[tilespmem:$0x16400] =	vst v63  }
0x2c: {  	s28 =	simm.s32 $0x200;
	s17 =	simm.s32 $0xE400  }
0x2d: {  	[tilespmem:s17], [sflag:$0x5] =	stream.indirect.gather [hbm4b:s3+s15], $0x40, s28, s15, $0xb8;
	[tilespmem:$0x16400] =	vst v63  }
0x2e: {  	s30 =	simm.s32 $0x280;
	s19 =	simm.s32 $0x10400  }
0x2f: {  	[tilespmem:s19], [sflag:$0x6] =	stream.indirect.gather [hbm4b:s3+s15], $0x40, s30, s15, $0xb8;
	[tilespmem:$0x16400] =	vst v63  }
0x30: {  	s1 =	simm.s32 $0x300;
	s21 =	simm.s32 $0x12400  }
0x31: {  	[tilespmem:s21], [sflag:$0x7] =	stream.indirect.gather [hbm4b:s3+s15], $0x40, s1, s15, $0xb8;
	[tilespmem:$0x16400] =	vst v63  }
0x32: {  	s23 =	simm.s32 $0x380;
	s1 =	simm.s32 $0x14400  }
0x33: {  	[tilespmem:s1], [sflag:$0x8] =	stream.indirect.gather [hbm4b:s3+s15], $0x40, s23, s15, $0xb8;
	[tilespmem:$0x16400] =	vst v63  }
0x34: {  	s23 =	simm.s32 $0x1  }
0x35: {  	_ =	swait.ge [sflag:s23], $0x2000  }
0x36: {  	s25 =	rddreg [dreg:$0x3];
	[sflag:s23] =	ssyncset.done $0x0  }
0x37: {  	s28 =	simm.s32 $0x9;
	[sflag:s23] =	ssyncadd.s32 $0xFFFFE000;
	s11 =	sadd.s32 $0x0, s25  }
0x38: {  	[hbm4b:s11+s2] =	stream.linear.scatter [tilespmem:s12], [sflag:$0x9], $0x2000, $0x38;
	[tilespmem:$0x16400] =	vst v63  }
0x39: {  	_ =	swait.ge [sflag:s28], $0x2000  }
0x3a: {  	[sflag:s28] =	ssyncset.done $0x0  }
0x3b: {  	s30 =	simm.s32 $0x400;
	[sflag:s28] =	ssyncadd.s32 $0xFFFFE000  }
0x3c: {  	[tilespmem:s12], [sflag:$0x1] =	stream.indirect.gather [hbm4b:s3+s15], $0x40, s30, s15, $0xb8;
	[tilespmem:$0x16400] =	vst v63  }
0x3d: {  	_ =	swait.ge [sflag:s0], $0x2000  }
0x3e: {  	s23 =	rddreg [dreg:$0xa];
	[sflag:s0] =	ssyncset.done $0x0  }
0x3f: {  	[sflag:s0] =	ssyncadd.s32 $0xFFFFE000;
	s11 =	sadd.s32 $0x0, s23  }
0x40: {  	[hbm4b:s11+s2] =	stream.linear.scatter [tilespmem:s13], [sflag:$0xA], $0x2000, $0x38;
	[tilespmem:$0x16400] =	vst v63  }
0x41: {  	_ =	swait.ge [sflag:s18], $0x2000  }
0x42: {  	[sflag:s18] =	ssyncset.done $0x0  }
0x43: {  	s25 =	simm.s32 $0x480;
	[sflag:s18] =	ssyncadd.s32 $0xFFFFE000  }
0x44: {  	[tilespmem:s13], [sflag:$0x2] =	stream.indirect.gather [hbm4b:s3+s15], $0x40, s25, s15, $0xb8;
	[tilespmem:$0x16400] =	vst v63  }
0x45: {  	_ =	swait.ge [sflag:s20], $0x2000  }
0x46: {  	s28 =	rddreg [dreg:$0x9];
	[sflag:s20] =	ssyncset.done $0x0  }
0x47: {  	[sflag:s20] =	ssyncadd.s32 $0xFFFFE000;
	s11 =	sadd.s32 $0x0, s28  }
0x48: {  	[hbm4b:s11+s2] =	stream.linear.scatter [tilespmem:s14], [sflag:$0xB], $0x2000, $0x38;
	[tilespmem:$0x16400] =	vst v63  }
0x49: {  	_ =	swait.ge [sflag:s22], $0x2000  }
0x4a: {  	[sflag:s22] =	ssyncset.done $0x0  }
0x4b: {  	s30 =	simm.s32 $0x500;
	[sflag:s22] =	ssyncadd.s32 $0xFFFFE000  }
0x4c: {  	[tilespmem:s14], [sflag:$0x3] =	stream.indirect.gather [hbm4b:s3+s15], $0x40, s30, s15, $0xb8;
	[tilespmem:$0x16400] =	vst v63  }
0x4d: {  	_ =	swait.ge [sflag:s24], $0x2000  }
0x4e: {  	s12 =	rddreg [dreg:$0x8];
	[sflag:s24] =	ssyncset.done $0x0  }
0x4f: {  	[sflag:s24] =	ssyncadd.s32 $0xFFFFE000;
	s11 =	sadd.s32 $0x0, s12  }
0x50: {  	[hbm4b:s11+s2] =	stream.linear.scatter [tilespmem:s16], [sflag:$0xC], $0x2000, $0x38;
	[tilespmem:$0x16400] =	vst v63  }
0x51: {  	_ =	swait.ge [sflag:s26], $0x2000  }
0x52: {  	[sflag:s26] =	ssyncset.done $0x0  }
0x53: {  	s13 =	simm.s32 $0x580;
	[sflag:s26] =	ssyncadd.s32 $0xFFFFE000  }
0x54: {  	[tilespmem:s16], [sflag:$0x4] =	stream.indirect.gather [hbm4b:s3+s15], $0x40, s13, s15, $0xb8;
	[tilespmem:$0x16400] =	vst v63  }
0x55: {  	_ =	swait.ge [sflag:s29], $0x2000  }
0x56: {  	s14 =	rddreg [dreg:$0x7];
	[sflag:s29] =	ssyncset.done $0x0  }
0x57: {  	[sflag:s29] =	ssyncadd.s32 $0xFFFFE000;
	s11 =	sadd.s32 $0x0, s14  }
0x58: {  	[hbm4b:s11+s2] =	stream.linear.scatter [tilespmem:s17], [sflag:$0xD], $0x2000, $0x38;
	[tilespmem:$0x16400] =	vst v63  }
0x59: {  	_ =	swait.ge [sflag:s4], $0x2000  }
0x5a: {  	[sflag:s4] =	ssyncset.done $0x0  }
0x5b: {  	s16 =	simm.s32 $0x600;
	[sflag:s4] =	ssyncadd.s32 $0xFFFFE000  }
0x5c: {  	[tilespmem:s17], [sflag:$0x5] =	stream.indirect.gather [hbm4b:s3+s15], $0x40, s16, s15, $0xb8;
	[tilespmem:$0x16400] =	vst v63  }
0x5d: {  	_ =	swait.ge [sflag:s5], $0x2000  }
0x5e: {  	s17 =	rddreg [dreg:$0x6];
	[sflag:s5] =	ssyncset.done $0x0  }
0x5f: {  	[sflag:s5] =	ssyncadd.s32 $0xFFFFE000;
	s11 =	sadd.s32 $0x0, s17  }
0x60: {  	[hbm4b:s11+s2] =	stream.linear.scatter [tilespmem:s19], [sflag:$0xE], $0x2000, $0x38;
	[tilespmem:$0x16400] =	vst v63  }
0x61: {  	_ =	swait.ge [sflag:s6], $0x2000  }
0x62: {  	[sflag:s6] =	ssyncset.done $0x0  }
0x63: {  	s23 =	simm.s32 $0x680;
	[sflag:s6] =	ssyncadd.s32 $0xFFFFE000  }
0x64: {  	[tilespmem:s19], [sflag:$0x6] =	stream.indirect.gather [hbm4b:s3+s15], $0x40, s23, s15, $0xb8;
	[tilespmem:$0x16400] =	vst v63  }
0x65: {  	_ =	swait.ge [sflag:s7], $0x2000  }
0x66: {  	s25 =	rddreg [dreg:$0x5];
	[sflag:s7] =	ssyncset.done $0x0  }
0x67: {  	[sflag:s7] =	ssyncadd.s32 $0xFFFFE000;
	s11 =	sadd.s32 $0x0, s25  }
0x68: {  	[hbm4b:s11+s2] =	stream.linear.scatter [tilespmem:s21], [sflag:$0xF], $0x2000, $0x38;
	[tilespmem:$0x16400] =	vst v63  }
0x69: {  	_ =	swait.ge [sflag:s8], $0x2000  }
0x6a: {  	[sflag:s8] =	ssyncset.done $0x0  }
0x6b: {  	s28 =	simm.s32 $0x700;
	[sflag:s8] =	ssyncadd.s32 $0xFFFFE000  }
0x6c: {  	[tilespmem:s21], [sflag:$0x7] =	stream.indirect.gather [hbm4b:s3+s15], $0x40, s28, s15, $0xb8;
	[tilespmem:$0x16400] =	vst v63  }
0x6d: {  	_ =	swait.ge [sflag:s9], $0x2000  }
0x6e: {  	s30 =	rddreg [dreg:$0x4];
	[sflag:s9] =	ssyncset.done $0x0  }
0x6f: {  	[sflag:s9] =	ssyncadd.s32 $0xFFFFE000;
	s11 =	sadd.s32 $0x0, s30  }
0x70: {  	[hbm4b:s11+s2] =	stream.linear.scatter [tilespmem:s1], [sflag:$0x10], $0x2000, $0x38;
	[tilespmem:$0x16400] =	vst v63  }
0x71: {  	_ =	swait.ge [sflag:s10], $0x2000  }
0x72: {  	s12 =	simm.s32 $0x780;
	[sflag:s10] =	ssyncset.done $0x0  }
0x73: {  	s13 =	simm.s32 $0x2000;
	s14 =	simm.s32 $0xB80;
	[sflag:s10] =	ssyncadd.s32 $0xFFFFE000  }
.LBB2_2:
0x74: {  	s1 =	simm.s32 $0x14400;
	s17 =	simm.s32 $0x1  }
0x75: {  	[tilespmem:s1], [sflag:$0x8] =	stream.indirect.gather [hbm4b:s3+s15], $0x40, s12, s15, $0xb8;
	[tilespmem:$0x16400] =	vst v63  }
0x76: {  	s11 =	smov.u32 s13;
	_ =	swait.ge [sflag:s17], $0x2000  }
0x77: {  	s19 =	simm.s32 $0x6400;
	s16 =	rddreg [dreg:$0x3];
	[sflag:s17] =	ssyncset.done $0x0  }
0x78: {  	[sflag:s17] =	ssyncadd.s32 $0xFFFFE000;
	s16 =	sadd.s32 s11, s16;
	s17 =	simm.s32 $0x9  }
0x79: {  	[hbm4b:s16+s2] =	stream.linear.scatter [tilespmem:s19], [sflag:$0x9], $0x2000, $0x38;
	[tilespmem:$0x16400] =	vst v63  }
0x7a: {  	_ =	swait.ge [sflag:s17], $0x2000  }
0x7b: {  	[sflag:s17] =	ssyncset.done $0x0  }
0x7c: {  	s21 =	sadd.s32 $0xFFFFFC80, s14;
	[sflag:s17] =	ssyncadd.s32 $0xFFFFE000  }
0x7d: {  	[tilespmem:s19], [sflag:$0x1] =	stream.indirect.gather [hbm4b:s3+s15], $0x40, s21, s15, $0xb8;
	[tilespmem:$0x16400] =	vst v63  }
0x7e: {  	_ =	swait.ge [sflag:s0], $0x2000  }
0x7f: {  	s23 =	rddreg [dreg:$0xa];
	[sflag:s0] =	ssyncset.done $0x0  }
0x80: {  	s21 =	simm.s32 $0x8400;
	[sflag:s0] =	ssyncadd.s32 $0xFFFFE000;
	s16 =	sadd.s32 s11, s23  }
0x81: {  	[hbm4b:s16+s2] =	stream.linear.scatter [tilespmem:s21], [sflag:$0xA], $0x2000, $0x38;
	[tilespmem:$0x16400] =	vst v63  }
0x82: {  	_ =	swait.ge [sflag:s18], $0x2000  }
0x83: {  	[sflag:s18] =	ssyncset.done $0x0  }
0x84: {  	s25 =	sadd.s32 $0xFFFFFD00, s14;
	[sflag:s18] =	ssyncadd.s32 $0xFFFFE000  }
0x85: {  	[tilespmem:s21], [sflag:$0x2] =	stream.indirect.gather [hbm4b:s3+s15], $0x40, s25, s15, $0xb8;
	[tilespmem:$0x16400] =	vst v63  }
0x86: {  	_ =	swait.ge [sflag:s20], $0x2000  }
0x87: {  	s23 =	rddreg [dreg:$0x9];
	[sflag:s20] =	ssyncset.done $0x0  }
0x88: {  	[sflag:s20] =	ssyncadd.s32 $0xFFFFE000;
	s16 =	sadd.s32 s11, s23;
	s23 =	simm.s32 $0xA400  }
0x89: {  	[hbm4b:s16+s2] =	stream.linear.scatter [tilespmem:s23], [sflag:$0xB], $0x2000, $0x38;
	[tilespmem:$0x16400] =	vst v63  }
0x8a: {  	_ =	swait.ge [sflag:s22], $0x2000  }
0x8b: {  	[sflag:s22] =	ssyncset.done $0x0  }
0x8c: {  	s25 =	sadd.s32 $0xFFFFFD80, s14;
	[sflag:s22] =	ssyncadd.s32 $0xFFFFE000  }
0x8d: {  	[tilespmem:s23], [sflag:$0x3] =	stream.indirect.gather [hbm4b:s3+s15], $0x40, s25, s15, $0xb8;
	[tilespmem:$0x16400] =	vst v63  }
0x8e: {  	_ =	swait.ge [sflag:s24], $0x2000  }
0x8f: {  	s23 =	rddreg [dreg:$0x8];
	[sflag:s24] =	ssyncset.done $0x0  }
0x90: {  	s25 =	simm.s32 $0xC400;
	[sflag:s24] =	ssyncadd.s32 $0xFFFFE000;
	s16 =	sadd.s32 s11, s23  }
0x91: {  	[hbm4b:s16+s2] =	stream.linear.scatter [tilespmem:s25], [sflag:$0xC], $0x2000, $0x38;
	[tilespmem:$0x16400] =	vst v63  }
0x92: {  	_ =	swait.ge [sflag:s26], $0x2000  }
0x93: {  	[sflag:s26] =	ssyncset.done $0x0  }
0x94: {  	s16 =	sadd.s32 $0xFFFFFE00, s14;
	[sflag:s26] =	ssyncadd.s32 $0xFFFFE000  }
0x95: {  	[tilespmem:s25], [sflag:$0x4] =	stream.indirect.gather [hbm4b:s3+s15], $0x40, s16, s15, $0xb8;
	[tilespmem:$0x16400] =	vst v63  }
0x96: {  	_ =	swait.ge [sflag:s29], $0x2000  }
0x97: {  	s25 =	rddreg [dreg:$0x7];
	[sflag:s29] =	ssyncset.done $0x0  }
0x98: {  	s28 =	simm.s32 $0xE400;
	[sflag:s29] =	ssyncadd.s32 $0xFFFFE000;
	s16 =	sadd.s32 s11, s25  }
0x99: {  	[hbm4b:s16+s2] =	stream.linear.scatter [tilespmem:s28], [sflag:$0xD], $0x2000, $0x38;
	[tilespmem:$0x16400] =	vst v63  }
0x9a: {  	_ =	swait.ge [sflag:s4], $0x2000  }
0x9b: {  	[sflag:s4] =	ssyncset.done $0x0  }
0x9c: {  	s16 =	sadd.s32 $0xFFFFFE80, s14;
	[sflag:s4] =	ssyncadd.s32 $0xFFFFE000  }
0x9d: {  	[tilespmem:s28], [sflag:$0x5] =	stream.indirect.gather [hbm4b:s3+s15], $0x40, s16, s15, $0xb8;
	[tilespmem:$0x16400] =	vst v63  }
0x9e: {  	_ =	swait.ge [sflag:s5], $0x2000  }
0x9f: {  	s16 =	rddreg [dreg:$0x6];
	[sflag:s5] =	ssyncset.done $0x0  }
0xa0: {  	s30 =	simm.s32 $0x10400;
	[sflag:s5] =	ssyncadd.s32 $0xFFFFE000;
	s16 =	sadd.s32 s11, s16  }
0xa1: {  	[hbm4b:s16+s2] =	stream.linear.scatter [tilespmem:s30], [sflag:$0xE], $0x2000, $0x38;
	[tilespmem:$0x16400] =	vst v63  }
0xa2: {  	_ =	swait.ge [sflag:s6], $0x2000  }
0xa3: {  	[sflag:s6] =	ssyncset.done $0x0  }
0xa4: {  	s16 =	sadd.s32 $0xFFFFFF00, s14;
	[sflag:s6] =	ssyncadd.s32 $0xFFFFE000  }
0xa5: {  	[tilespmem:s30], [sflag:$0x6] =	stream.indirect.gather [hbm4b:s3+s15], $0x40, s16, s15, $0xb8;
	[tilespmem:$0x16400] =	vst v63  }
0xa6: {  	_ =	swait.ge [sflag:s7], $0x2000  }
0xa7: {  	s16 =	rddreg [dreg:$0x5];
	[sflag:s7] =	ssyncset.done $0x0  }
0xa8: {  	[sflag:s7] =	ssyncadd.s32 $0xFFFFE000;
	s16 =	sadd.s32 s11, s16  }
0xa9: {  	[hbm4b:s16+s2] =	stream.linear.scatter [tilespmem:s31], [sflag:$0xF], $0x2000, $0x38;
	[tilespmem:$0x16400] =	vst v63  }
0xaa: {  	_ =	swait.ge [sflag:s8], $0x2000  }
0xab: {  	p0 =	sne.s32 s13, $0x2E000;
	[sflag:s8] =	ssyncset.done $0x0  }
0xac: {  	s13 =	sadd.s32 $0x2000, s13;
	s16 =	sadd.s32 $0xFFFFFF80, s14;
	[sflag:s8] =	ssyncadd.s32 $0xFFFFE000  }
0xad: {  	[tilespmem:s31], [sflag:$0x7] =	stream.indirect.gather [hbm4b:s3+s15], $0x40, s16, s15, $0xb8;
	[tilespmem:$0x16400] =	vst v63  }
0xae: {  	s12 =	smov.u32 s14;
	s17 =	simm.s32 $0x6400;
	_ =	swait.ge [sflag:s9], $0x2000  }
0xaf: {  	s19 =	simm.s32 $0x8400;
	s16 =	rddreg [dreg:$0x4];
	[sflag:s9] =	ssyncset.done $0x0  }
.Ltmp0:
0xb0: {  	[sflag:s9] =	ssyncadd.s32 $0xFFFFE000;
	s11 =	sadd.s32 s11, s16;
	(pc) =	sbr.rel @p0 .LBB2_2-.Ltmp0, $4  }
0xb1: {  	[hbm4b:s11+s2] =	stream.linear.scatter [tilespmem:s1], [sflag:$0x10], $0x2000, $0x38;
	[tilespmem:$0x16400] =	vst v63  }
0xb2: {  	s21 =	simm.s32 $0xA400;
	s23 =	simm.s32 $0xC400;
	_ =	swait.ge [sflag:s10], $0x2000  }
0xb3: {  	s25 =	simm.s32 $0xE400;
	s28 =	simm.s32 $0x10400;
	[sflag:s10] =	ssyncset.done $0x0  }
0xb4: {  	s30 =	simm.s32 $0x12400;
	s14 =	sadd.s32 $0x400, s14;
	[sflag:s10] =	ssyncadd.s32 $0xFFFFE000  }
0xb5: {  	s1 =	simm.s32 $0x14400;
	s11 =	simm.s32 $0x1  }
0xb6: {  	[tilespmem:s1], [sflag:$0x8] =	stream.indirect.gather [hbm4b:s3+s15], $0x40, s12, s15, $0xb8;
	[tilespmem:$0x16400] =	vst v63  }
0xb7: {  	_ =	swait.ge [sflag:s11], $0x2000  }
0xb8: {  	[sflag:s11] =	ssyncset.done $0x0  }
0xb9: {  	s13 =	simm.s32 $0x9;
	s12 =	rddreg [dreg:$0xc];
	[sflag:s11] =	ssyncadd.s32 $0xFFFFE000  }
0xba: {  	[hbm4b:s12+s2] =	stream.linear.scatter [tilespmem:s17], [sflag:$0x9], $0x2000, $0x38;
	[tilespmem:$0x16400] =	vst v63  }
0xbb: {  	_ =	swait.ge [sflag:s13], $0x2000  }
0xbc: {  	[sflag:s13] =	ssyncset.done $0x0  }
0xbd: {  	[sflag:s13] =	ssyncadd.s32 $0xFFFFE000  }
0xbe: {  	_ =	swait.ge [sflag:s0], $0x2000  }
0xbf: {  	[sflag:s0] =	ssyncset.done $0x0  }
0xc0: {  	s14 =	rddreg [dreg:$0xd];
	[sflag:s0] =	ssyncadd.s32 $0xFFFFE000  }
0xc1: {  	[hbm4b:s14+s2] =	stream.linear.scatter [tilespmem:s19], [sflag:$0xA], $0x2000, $0x38;
	[tilespmem:$0x16400] =	vst v63  }
0xc2: {  	_ =	swait.ge [sflag:s18], $0x2000  }
0xc3: {  	[sflag:s18] =	ssyncset.done $0x0  }
0xc4: {  	[sflag:s18] =	ssyncadd.s32 $0xFFFFE000  }
0xc5: {  	_ =	swait.ge [sflag:s20], $0x2000  }
0xc6: {  	[sflag:s20] =	ssyncset.done $0x0  }
0xc7: {  	s16 =	rddreg [dreg:$0xe];
	[sflag:s20] =	ssyncadd.s32 $0xFFFFE000  }
0xc8: {  	[hbm4b:s16+s2] =	stream.linear.scatter [tilespmem:s21], [sflag:$0xB], $0x2000, $0x38;
	[tilespmem:$0x16400] =	vst v63  }
0xc9: {  	_ =	swait.ge [sflag:s22], $0x2000  }
0xca: {  	[sflag:s22] =	ssyncset.done $0x0  }
0xcb: {  	[sflag:s22] =	ssyncadd.s32 $0xFFFFE000  }
0xcc: {  	_ =	swait.ge [sflag:s24], $0x2000  }
0xcd: {  	[sflag:s24] =	ssyncset.done $0x0  }
0xce: {  	s17 =	rddreg [dreg:$0xf];
	[sflag:s24] =	ssyncadd.s32 $0xFFFFE000  }
0xcf: {  	[hbm4b:s17+s2] =	stream.linear.scatter [tilespmem:s23], [sflag:$0xC], $0x2000, $0x38;
	[tilespmem:$0x16400] =	vst v63  }
0xd0: {  	_ =	swait.ge [sflag:s26], $0x2000  }
0xd1: {  	[sflag:s26] =	ssyncset.done $0x0  }
0xd2: {  	[sflag:s26] =	ssyncadd.s32 $0xFFFFE000  }
0xd3: {  	_ =	swait.ge [sflag:s29], $0x2000  }
0xd4: {  	[sflag:s29] =	ssyncset.done $0x0  }
0xd5: {  	s19 =	rddreg [dreg:$0x10];
	[sflag:s29] =	ssyncadd.s32 $0xFFFFE000  }
0xd6: {  	[hbm4b:s19+s2] =	stream.linear.scatter [tilespmem:s25], [sflag:$0xD], $0x2000, $0x38;
	[tilespmem:$0x16400] =	vst v63  }
0xd7: {  	_ =	swait.ge [sflag:s4], $0x2000  }
0xd8: {  	[sflag:s4] =	ssyncset.done $0x0  }
0xd9: {  	[sflag:s4] =	ssyncadd.s32 $0xFFFFE000  }
0xda: {  	_ =	swait.ge [sflag:s5], $0x2000  }
0xdb: {  	[sflag:s5] =	ssyncset.done $0x0  }
0xdc: {  	s21 =	rddreg [dreg:$0x11];
	[sflag:s5] =	ssyncadd.s32 $0xFFFFE000  }
0xdd: {  	[hbm4b:s21+s2] =	stream.linear.scatter [tilespmem:s28], [sflag:$0xE], $0x2000, $0x38;
	[tilespmem:$0x16400] =	vst v63  }
0xde: {  	_ =	swait.ge [sflag:s6], $0x2000  }
0xdf: {  	[sflag:s6] =	ssyncset.done $0x0  }
0xe0: {  	[sflag:s6] =	ssyncadd.s32 $0xFFFFE000  }
0xe1: {  	_ =	swait.ge [sflag:s7], $0x2000  }
0xe2: {  	[sflag:s7] =	ssyncset.done $0x0  }
0xe3: {  	s23 =	rddreg [dreg:$0x12];
	[sflag:s7] =	ssyncadd.s32 $0xFFFFE000  }
0xe4: {  	[hbm4b:s23+s2] =	stream.linear.scatter [tilespmem:s30], [sflag:$0xF], $0x2000, $0x38;
	[tilespmem:$0x16400] =	vst v63  }
0xe5: {  	_ =	swait.ge [sflag:s8], $0x2000  }
0xe6: {  	[sflag:s8] =	ssyncset.done $0x0  }
0xe7: {  	[sflag:s8] =	ssyncadd.s32 $0xFFFFE000  }
0xe8: {  	_ =	swait.ge [sflag:s9], $0x2000  }
0xe9: {  	[sflag:s9] =	ssyncset.done $0x0  }
0xea: {  	s25 =	rddreg [dreg:$0x13];
	[sflag:s9] =	ssyncadd.s32 $0xFFFFE000  }
0xeb: {  	[hbm4b:s25+s2] =	stream.linear.scatter [tilespmem:s1], [sflag:$0x10], $0x2000, $0x38;
	[tilespmem:$0x16400] =	vst v63  }
0xec: {  	_ =	swait.ge [sflag:s10], $0x2000  }
0xed: {  	s28 =	rddreg [dreg:$0x15]  }
0xee: {  	s30 =	rddreg [dreg:$0x14];
	s1 =	sadd.s32 $0x1, s28  }
0xef: {  	p0 =	sne.s32 s1, s30  }
.Ltmp1:
0xf0: {  	_ = 	snop;
	(pc) =	sbr.rel @p0 .LBB2_1-.Ltmp1, $3  }
0xf1: {  	_ =	sdelay $0x1  }
0xf2: {  	[sflag:s10] =	ssyncset.done $0x0  }
0xf3: {  	[sflag:s10] =	ssyncadd.s32 $0xFFFFE000  }
0xf4: {  	_ =	sfence.sel $0x180000  }
0xf5: {  	[bflag:$0x0] =	sbarrier.arrive $0xFFFF  }
0xf6: {  	_ =	strace $0x90000047  }
0xf7: {  	s0 =	stileid.u32;
	[bflag:$0x2] =	sbarrier.arrive $0xFFFF  }
0xf8: {  	p0 =	sne.s32 s0, $0x0;
	s0 =	rddreg [dreg:$0x2]  }
0xf9: {  	s0 =	sadd.s32 @!p0 $0x100000, s0  }
0xfa: {  	[sflag:s0] =	ssyncadd.tile.s32 @!p0 $0x1;
	_ =	shalt  }
.Lfunc_end2:
_tile_overlayer_lowered:
.L_overlay_start_2:
0xfb: {  	(tag) =	ssettag $0x2  }
0xfc: {  	s0 =	rddreg [dreg:$0x0];
	s2 =	stileid.u32  }
0xfd: {  	s1 =	rddreg [dreg:$0x1];
	p0 =	sne.s32 s2, $0x0  }
0xfe: {  	s3 =	rddreg [dreg:$0x2];
	[bflag:$0x3] =	sbarrier.arrive $0xFFFF;
	s2 =	simm.s32 @!p0 $0x1C11  }
0xff: {  	[timem:s3], [sflag:s2] =	dma.local @!p0 [hbm:s0], s1  }
0x100: {  	s0 =	simm.s32 @!p0 $0x11  }
0x101: {  	_ =	swait.ge @!p0 [sflag:s0], s1  }
0x102: {  	s1 =	ssub.s32 @!p0 $0x0, s1;
	[sflag:s0] =	ssyncset.done @!p0 $0x0  }
0x103: {  	[sflag:s0] =	ssyncadd.s32 @!p0 s1  }
0x104: {  	[bflag:$0x3] =	sbarrier.arrive $0xFFFF  }
0x105: {  	_ =	shalt  }

// kernel: sparse-core-data-format-call.cloned.1.call-start
scs
called_computation_lowered:
.L_overlay_start_0:
0x0: {  	s2 =	sld [smem:$0x3FD9]  }
0x1: {  	s3 =	sld [smem:$0x3FFE];
	_ =	sdelay $0x1  }
0x2: {  	s1 =	srdreg.scid  }
0x3: {  	s0 =	sand.u32 $0x1, s1  }
0x4: {  	s18 =	sshll.u32 s0, $0xA;
	s2 =	sadd.s32 s3, s2  }
0x5: {  	s2 =	sadd.s32 s2, s18  }
0x6: {  	[smem:$0x3FC6] =	sst s2  }
0x7: {  	_ = 	snop  }
0x8: {  	s2 =	sld [smem:$0x3FD0];
	(tm) =	ssettm $0x1  }
0x9: {  	s19 =	sld [smem:$0x3FFB];
	_ =	sdelay $0x3  }
0xa: {  	_ =	strace s19  }
0xb: {  	s3 =	sld [smem:$0x3FFC];
	_ =	sdelay $0x3  }
0xc: {  	_ =	strace s3  }
0xd: {  	s3 =	sld [smem:$0x3FFD];
	_ =	sdelay $0x3  }
0xe: {  	_ =	strace s3  }
0xf: {  	_ =	strace $0x8FFFFFFF  }
0x10: {  	s20 =	sld [smem:$0x3FDB];
	_ =	sdelay $0x1  }
0x11: {  	s4 =	simm.s32 $_scs_section_size  }
0x12: {  	s5 =	simm.s32 $_size__tile_overlayer_lowered;
	s6 =	simm.s32 $_tile_overlayer_lowered  }
0x13: {  	s23 =	simm.s32 $0x1BFF;
	s22 =	sshll.u32 s6, $0x1;
	s3 =	sadd.s32 s4, s20  }
0x14: {  	s7 =	simm.s32 $0x0;
	s21 =	sshll.u32 s5, $0x1;
	s5 =	sadd.s32 s22, s3  }
0x15: {  	[timem:s7], [sflag:s23] =	dma.local [hbm:s5], s21  }
0x16: {  	_ =	swait.ge [sflag:s23], s21  }
0x17: {  	s4 =	ssub.s32 $0x0, s21;
	[sflag:s23] =	ssyncset.done $0x0  }
0x18: {  	[sflag:s23] =	ssyncadd.s32 s4;
	_ =	sdelay $0x1  }
0x19: {  	s24 =	simm.s32 $0x1B8B  }
0x1a: {  	_ =	swait.ge [sflag:s24], $0x1  }
0x1b: {  	[sflag:s24] =	ssyncset.done $0x0  }
0x1c: {  	s26 =	simm.s32 $0x1B8E;
	s25 =	sld [smem:$0x3FFE];
	[sflag:s24] =	ssyncadd.s32 $0xFFFFFFFF  }
0x1d: {  	s27 =	simm.s32 $execute0_lowered;
	[smem:$0x3FD2] =	sst s26  }
0x1e: {  	s5 =	sshll.u32 s27, $0x1;
	_ =	strace $0x80000049;
	[dreg:$0x1] =	wrdreg $0xFFFFFFFF  }
0x1f: {  	s28 =	simm.s32 $_size_execute0_lowered;
	s3 =	sadd.s32 s3, s5;
	[dreg:$0x0] =	wrdreg $0x0  }
0x20: {  	s5 =	sshll.u32 s28, $0x1;
	[dreg:$0x2] =	wrdreg s3  }
0x21: {  	[dreg:$0x3] =	wrdreg s5  }
0x22: {  	[dreg:$0x4] =	wrdreg $0xC0  }
0x23: {  	_ =	task [dreg:s7], $0x5FFFF  }
0x24: {  	[dreg:$0x1] =	wrdreg $0xFFFFFFFF  }
0x25: {  	[dreg:$0x0] =	wrdreg $0x60  }
0x26: {  	[dreg:$0x2] =	wrdreg s25  }
0x27: {  	[dreg:$0x3] =	wrdreg s2  }
0x28: {  	[dreg:$0x4] =	wrdreg $0x9  }
0x29: {  	_ =	task.clear_ibuf [dreg:s7], $0x5FFFF;
	_ =	strace $0x90000049  }
0x2a: {  	s29 =	simm.s32 $0x9;
	_ =	strace $0x8000004B  }
0x2b: {  	_ =	swait.ge [sflag:s29], $0x1  }
0x2c: {  	[sflag:s29] =	ssyncadd.s32 $0xFFFFFFFF  }
0x2d: {  	_ =	strace $0x9000004B  }
0x2e: {  	_ =	sfence  }
0x2f: {  	s30 =	sld [smem:$0x0];
	_ =	sdelay $0x2  }
0x30: {  	s31 =	sshll.u32 s1, $0xD;
	s1 =	sshrl.u32 s1, $0x2  }
0x31: {  	s3 =	sand.u32 $0x4000, s31;
	s1 =	sadd.s32 s1, s30  }
0x32: {  	s0 =	sor.u32 s3, s0;
	s1 =	sshll.u32 s1, $0x11  }
0x33: {  	s0 =	sor.u32 s1, s0  }
0x34: {  	s0 =	sadd.s32 $0x8F2B, s0  }
0x35: {  	[sflag:s0] =	ssyncadd.remote.s32 $0x1  }
0x36: {  	_ =	sfence.sel $0xFFFF  }
0x37: {  	[dreg:$0x0] =	wrdreg $0xFFFFFFFF;
	(pc) =	sbr.abs _section_cstart, $3  }
0x38: {  	[dreg:$0x1] =	wrdreg $0xFFFFFFFF  }
0x39: {  	_ =	task.clear_ibuf [dreg:s7], $0x2FFFF;
	_ =	strace $0x9FFFFFFF  }
0x3a: {  	(tm) =	ssettm $0x7FFFFFFF  }
0x3b: {  	_ =	shalt  }
tec
execute0_lowered:
.L_overlay_start_1:
0x0: {  	(tag) =	ssettag $0x1  }
0x1: {  	s0 =	srdreg.scid  }
0x2: {  	s1 =	sshll.u32 s0, $0x4  }
0x3: {  	s0 =	stileid.u32;
	s1 =	sand.u32 $0x10, s1  }
0x4: {  	s1 =	sor.u32 s0, s1  }
0x5: {  	s6 =	rddreg [dreg:$0x0];
	s4 =	simm.s32 $0x1;
	s2 =	sshll.u32 s1, $0x7  }
0x6: {  	s7 =	simm.s32 $0x2;
	s12 =	simm.s32 $0x0;
	s1 =	ssub.s32 $0x4000, s2  }
0x7: {  	s8 =	simm.s32 $0x20000;
	s13 =	simm.s32 $0x0;
	s3 =	sand.u32 $0xF80, s1  }
0x8: {  	s9 =	simm.s32 $0x0;
	s5 =	sshrl.u32 s1, $0xC;
	p0 =	sne.s32 s3, $0x0  }
.Ltmp0:
0x9: {  	s1 =	rddreg [dreg:$0x2];
	s4 =	simm.s32 @!p0 $0x0;
	(pc) =	sbr.rel .LBB1_1-.Ltmp0, $4  }
0xa: {  	s11 =	simm.s32 $0x0;
	s3 =	rddreg [dreg:$0x1];
	s5 =	sadd.s32 s4, s5  }
0xb: {  	_ =	strace $0x8000004A;
	s4 =	simm.s32 $0x1;
	s5 =	smul.u32 $0x32, s5  }
0xc: {  	s6 =	sadd.s32 $0xA00, s6;
	s10 =	smov.u32 s2;
	[sflag:s4] =	ssyncpa.u1 $0x0  }
0xd: {  	p0 =	por $0x0, $0x0;
	[sflag:s7] =	ssyncpa.u1 $0x0;
	s7 =	sor.u32 $0x1, s5  }
.LBB1_4:
0xe: {  	s16 =	sshll.u32 s13, $0x3;
	s17 =	sand.u32 $0x78, s13  }
0xf: {  	s30 =	sand.u32 $0x1F800, s13;
	s12 =	sshll.u32 s12, $0x11;
	s16 =	sand.u32 $0x3C00, s16  }
0x10: {  	[tilespmem:s15+$0x810 ss:$0x81] =	vst.msk $0xffff, v2;
	s31 =	sand.u32 $0x7, s13;
	s16 =	sor.u32 s17, s16;
	s17 =	sadd.s32 s3, s30  }
0x11: {  	[tilespmem:s15+$0x1020 ss:$0x81] =	vst.msk $0xffff, v0;
	s13 =	sshll.u32 s31, $0x12;
	s12 =	sadd.s32 s12, s17;
	s16 =	sshrl.u32 s16, $0x3  }
0x12: {  	[tilespmem:s15+$0x0 ss:$0x81] =	vst.msk $0xffff, v1;
	s13 =	sor.u32 $0x400, s13;
	s12 =	sadd.s32 s16, s12  }
0x13: {  	[hbm4b:s12+s13] =	stream.strided.scatter [tilespmem:s14], [sflag:$0x2], $0x2000, s8, s13, $0x20;
	[tilespmem:$0x8080] =	vst v63  }
.LBB1_5:
0x14: {  	s14 =	sadd.s32 $0x1, s9  }
0x15: {  	s12 =	sadd.s32 $0x1000, s10;
	s16 =	smov.u32 s10;
	p2 =	sgt.s32 s14, $0x31  }
0x16: {  	s16 =	smov.u32 @p2 s12  }
0x17: {  	s14 =	simm.s32 @p2 $0x0;
	p2 =	sgt.s32 s16, $0x3FFF  }
0x18: {  	s16 =	smov.u32 @p2 s2;
	p2 =	sne.s32 s11, s7  }
.Ltmp1:
0x19: {  	p1 =	slt.u32 s11, $0x2;
	(pc) =	sbr.rel @!p2 .LBB1_6-.Ltmp1, $4  }
0x1a: {  	s15 =	simm.s32 @!p1 $0x2  }
0x1b: {  	s13 =	smov.u32 s10;
	p0 =	por !p0, !p0;
	_ =	swait.ge @!p1 [sflag:s15], $0x2000  }
0x1c: {  	s12 =	smov.u32 s9;
	[sflag:s15] =	ssyncset.done @!p1 $0x0;
	s9 =	smov.u32 s14  }
0x1d: {  	s11 =	sadd.s32 $0x1, s11;
	[sflag:s15] =	ssyncadd.s32 @!p1 $0xFFFFE000;
	s10 =	smov.u32 s16  }
.LBB1_1:
0x1e: {  	p1 =	sge.u32 s11, s5  }
0x1f: {  	s14 =	sand.u32 @!p1 $0x1FFFFFF, s9  }
0x20: {  	s15 =	smulhi.u32 @!p1 $0x4924925, s14;
	_ =	sdelay $0x1  }
0x21: {  	s15 =	smul.u32 @!p1 $0x38, s15  }
0x22: {  	s16 =	sxor.u32 @!p1 $0xFFFFFFFF, s11;
	s17 =	smul.u32 @!p1 $0x380, s10  }
0x23: {  	s31 =	sadd.s32 $0xFFFFFFFF, s11;
	s16 =	sshll.u32 @!p1 s16, $0xD;
	s14 =	ssub.s32 @!p1 s14, s15  }
0x24: {  	s15 =	sand.u32 @!p1 $0x2000, s16;
	s16 =	sadd.s32 @!p1 s6, s17;
	s14 =	sshll.u32 @!p1 s14, $0x4  }
0x25: {  	s17 =	simm.s32 @!p1 $0x1C00;
	s14 =	sadd.s32 @!p1 s14, s16;
	s16 =	simm.s32 @!p1 $0x40  }
0x26: {  	[tilespmem:s15], [sflag:$0x1] =	stream.strided.gather @!p1 [hbm4b:s14+s16], $0x2000, s17, s16, $0x38;
	[tilespmem:$0x8080] =	vst v63  }
0x27: {  	p1 =	sge.u32 s31, s5  }
.Ltmp2:
0x28: {  	_ = 	snop;
	(pc) =	sbr.rel @p1 .LBB1_5-.Ltmp2, $1  }
0x29: {  	_ =	sdelay $0x3  }
0x2a: {  	s14 =	simm.s32 $0x1  }
0x2b: {  	_ =	swait.ge [sflag:s4], $0x2000;
	s14 =	simm.s32 @!p0 $0x0  }
0x2c: {  	[sflag:s4] =	ssyncset.done $0x0;
	s15 =	sshll.u32 s14, $0xD  }
0x2d: {  	[sflag:s4] =	ssyncadd.s32 $0xFFFFE000;
	s18 =	sor.u32 $0x20, s15  }
0x2e: {  	s14 =	smul.u32 $0x8100, s14;
	v3 =	vld [tilespmem:s18+$0x10]  }
0x2f: {  	s30 =	sand.u32 $0x1, s11;
	v2 =	vld [tilespmem:s18+$0xFFFFFFF0]  }
0x30: {  	s15 =	smul.u32 $0x8100, s30;
	s14 =	sshrl.u32 s14, $0x2;
	v0 =	vld [tilespmem:s18+$0x0]  }
0x31: {  	v1 =	vld [tilespmem:s18+$0xFFFFFFE0];
	s16 =	sor.u32 $0x4000, s14  }
0x32: {  	s31 =	sshrl.u32 s15, $0x2;
	s15 =	sadd.s32 $0x0, s16  }
0x33: {  	s17 =	simm.s32 $0x4;
	s18 =	sadd.s32 $0x40, s18;
	s14 =	sor.u32 $0x4000, s31;
	[tilespmem:s15+$0x1830 ss:$0x81] =	vst.msk $0xffff, v3  }
.LBB1_3:
0x34: {  	v3 =	vld [tilespmem:s18+$0x10];
	p1 =	sne.s32 s17, $0x1FC;
	[tilespmem:s15+$0x810 ss:$0x81] =	vst.msk $0xffff, v2;
	s19 =	smov.u32 s17;
	s17 =	sadd.s32 $0x4, s17  }
.Ltmp3:
0x35: {  	v2 =	vld [tilespmem:s18+$0xFFFFFFF0];
	[tilespmem:s15+$0x1020 ss:$0x81] =	vst.msk $0xffff, v0;
	(pc) =	sbr.rel @p1 .LBB1_3-.Ltmp3, $4  }
0x36: {  	v0 =	vld [tilespmem:s18+$0x0];
	[tilespmem:s15+$0x0 ss:$0x81] =	vst.msk $0xffff, v1  }
0x37: {  	s15 =	sshra.s32 s19, $0x2;
	v1 =	vld [tilespmem:s18+$0xFFFFFFE0]  }
0x38: {  	s15 =	sadd.s32 s15, s16  }
0x39: {  	s18 =	sadd.s32 $0x40, s18;
	[tilespmem:s15+$0x1830 ss:$0x81] =	vst.msk $0xffff, v3  }
.Ltmp4:
0x3a: {  	_ = 	snop;
	(pc) =	sbr.rel .LBB1_4-.Ltmp4, $1  }
0x3b: {  	_ =	sdelay $0x3  }
.LBB1_6:
0x3c: {  	_ =	sfence.sel $0x180000  }
0x3d: {  	s2 =	simm.s32 $0x1;
	[bflag:$0x0] =	sbarrier.arrive $0xFFFF  }
0x3e: {  	s31 =	simm.s32 $0x2;
	[sflag:s2] =	ssyncpa.u1 $0x1  }
0x3f: {  	[sflag:s31] =	ssyncpa.u1 $0x1  }
0x40: {  	p0 =	sne.s32 s0, $0x0;
	_ =	strace $0x9000004A  }
0x41: {  	s0 =	sadd.s32 @!p0 $0x100000, s1;
	[bflag:$0x2] =	sbarrier.arrive $0xFFFF  }
0x42: {  	[sflag:s0] =	ssyncadd.tile.s32 @!p0 $0x1;
	_ =	shalt  }
.Lfunc_end1:
_tile_overlayer_lowered:
.L_overlay_start_2:
0x43: {  	(tag) =	ssettag $0x2  }
0x44: {  	s0 =	rddreg [dreg:$0x0];
	s2 =	stileid.u32  }
0x45: {  	s1 =	rddreg [dreg:$0x1];
	p0 =	sne.s32 s2, $0x0  }
0x46: {  	s3 =	rddreg [dreg:$0x2];
	[bflag:$0x3] =	sbarrier.arrive $0xFFFF;
	s2 =	simm.s32 @!p0 $0x1C01  }
0x47: {  	[timem:s3], [sflag:s2] =	dma.local @!p0 [hbm:s0], s1  }
0x48: {  	s0 =	simm.s32 @!p0 $0x1  }
0x49: {  	_ =	swait.ge @!p0 [sflag:s0], s1  }
0x4a: {  	s1 =	ssub.s32 @!p0 $0x0, s1;
	[sflag:s0] =	ssyncset.done @!p0 $0x0  }
0x4b: {  	[sflag:s0] =	ssyncadd.s32 @!p0 s1  }
0x4c: {  	[bflag:$0x3] =	sbarrier.arrive $0xFFFF  }
0x4d: {  	_ =	shalt  }

</sc_bundles>
